<compile_context>
chip_gen: v7x
topology: tpu7x:2x2x1
jax: 0.10.2.dev20260603
libtpu: 0.0.44.dev20260713+nightly
codegen_flags: <defaults>
</compile_context>

<pallas_src>
import functools

import jax
import jax.numpy as jnp
from jax import lax
from jax.experimental import pallas as pl
from jax.experimental.pallas import tpu as pltpu
from jax.experimental.pallas import tpu_sc as plsc

_LANES = 16
_NWORKERS = 32
_CHUNK = 4096


def kernel(categorical_inputs, tables):
    B, T = categorical_inputs.shape
    _, V, D = tables.shape

    tab_t = jnp.transpose(tables, (0, 2, 1))
    cat_t = categorical_inputs.T

    n_pairs = T * D // _NWORKERS
    n_chunks = B // _CHUNK
    chunk_bytes = _CHUNK * 4

    mesh = plsc.VectorSubcoreMesh(core_axis_name="core", subcore_axis_name="subcore")

    @functools.partial(
        pl.kernel,
        out_type=jax.ShapeDtypeStruct((T, D, B), tables.dtype),
        mesh=mesh,
        compiler_params=pltpu.CompilerParams(needs_layout_passes=False),
        scratch_types=[
            pltpu.VMEM((V,), jnp.float32),
            pltpu.VMEM((B,), jnp.int32),
            pltpu.VMEM((2, _CHUNK), jnp.float32),
            pltpu.SemaphoreType.DMA,
            pltpu.SemaphoreType.DMA,
        ],
    )
    def run(tab_hbm, cat_hbm, out_hbm, vrow, idxv, outb, osem, rsem):
        wid = lax.axis_index("subcore") * 2 + lax.axis_index("core")
        p0 = wid * n_pairs

        @pl.loop(0, n_pairs)
        def pair(i):
            p = p0 + i
            t = lax.shift_right_logical(p, 5)
            d = jnp.bitwise_and(p, 31)

            rl = pltpu.make_async_copy(tab_hbm.at[t, d, :], vrow, rsem)
            rl.start()

            @pl.when(jnp.logical_or(d == 0, i == 0))
            def _():
                pltpu.sync_copy(cat_hbm.at[t, :], idxv)

            @pl.when(i > 0)
            def _():
                for s in range(2):
                    pltpu.make_async_copy(
                        tab_hbm.at[t, d, pl.ds(0, _CHUNK)], outb.at[s], osem
                    ).wait()

            rl.wait()

            writes = []
            for c in range(n_chunks):
                s = c % 2
                if c >= 2:
                    writes[c - 2].wait()

                @pl.loop(0, _CHUNK // _LANES, step=8)
                def gath(j):
                    ivs = [
                        idxv[pl.ds(c * _CHUNK + (j + u) * _LANES, _LANES)]
                        for u in range(8)
                    ]
                    gs = [plsc.load_gather(vrow, [iv]) for iv in ivs]
                    for u in range(8):
                        outb[s, pl.ds((j + u) * _LANES, _LANES)] = gs[u]

                writes.append(
                    pltpu.async_copy(
                        outb.at[s], out_hbm.at[t, d, pl.ds(c * _CHUNK, _CHUNK)], osem
                    )
                )

        for s in range(2):
            pltpu.make_async_copy(
                tab_hbm.at[0, 0, pl.ds(0, _CHUNK)], outb.at[s], osem
            ).wait()

    out_t = run(tab_t, cat_t)
    return jnp.transpose(out_t, (2, 0, 1))

# --- scband reference (transcript-rebuilt; emitter-appended) ---
"""Pipeline reference for scband-multi-table-embeddings-57260503990934 (READ-ONLY COPY).

The authoritative reference and input builder live on the scoring server;
editing this copy changes nothing except your own understanding.
"""

import jax, jax.numpy as jnp
import numpy as np

NUM_TABLES = 26
VOCAB = 100000
DIM = 32
BATCH = 16384


def setup_inputs(seed: int = 0) -> dict:
    key = jax.random.key(seed)
    k1, k2 = jax.random.split(key)
    categorical_inputs = jax.random.randint(k1, (BATCH, NUM_TABLES), 0, VOCAB, dtype=jnp.int32)
    # Learned parameters: one embedding table per categorical feature.
    # All tables share shape [VOCAB, DIM], so stack them into [NUM_TABLES, VOCAB, DIM].
    tables = jax.random.normal(k2, (NUM_TABLES, VOCAB, DIM), dtype=jnp.float32) * 0.01
    return {"categorical_inputs": categorical_inputs, "tables": tables}


def reference(categorical_inputs, tables):
    # Faithful translation of MultiTableEmbeddings.forward (hash_indices=False):
    # for each table j, gather tables[j][categorical_inputs[:, j]] -> [B, DIM], unsqueeze(1).
    # The list of [B, 1, DIM] outputs is returned here concatenated along dim 1 -> [B, NUM_TABLES, DIM],
    # which is exactly torch.cat(embedding_outputs, dim=1).
    table_ids = jnp.arange(NUM_TABLES)[None, :]  # [1, NUM_TABLES]
    out = tables[table_ids, categorical_inputs]   # gather -> [B, NUM_TABLES, DIM]
    return out

if __name__ == "__main__":
    import jax
    _d = setup_inputs()
    print(jax.jit(kernel)(*tuple(_d.values())))

</pallas_src>

<mosaic_0001>
#map = affine_map<(d0, d1) -> (0, 0, 0)>
#map1 = affine_map<(d0, d1) -> (0, 0)>
module attributes {stable_mosaic.version = 14 : i64} {
  func.func @run(%arg0: i32, %arg1: i32, %arg2: memref<26x32x100000xf32, #tpu.memory_space<hbm>>, %arg3: memref<26x16384xi32, #tpu.memory_space<hbm>>, %arg4: memref<26x32x16384xf32, #tpu.memory_space<hbm>>, %arg5: memref<100000xf32, #tpu.memory_space<vmem>>, %arg6: memref<16384xi32, #tpu.memory_space<vmem>>, %arg7: memref<2x4096xf32, #tpu.memory_space<vmem>>, %arg8: memref<!tpu.dma_semaphore, #tpu.memory_space<semaphore_mem>>, %arg9: memref<!tpu.dma_semaphore, #tpu.memory_space<semaphore_mem>>) attributes {dimension_semantics = [#tpu.dimension_semantics<core_parallel>, #tpu.dimension_semantics<subcore_parallel>], iteration_bounds = array<i64: 2, 16>, scalar_prefetch = 0 : i64, scratch_operands = 5 : i64, tpu.core_type = #tpu.core_type<sc_vector_subcore>, window_params = [{transform_indices = #map}, {transform_indices = #map1}, {transform_indices = #map}]} {
    %mul3A = arith.constant 2 : i32
    %mul3A_0 = arith.muli %arg1, %mul3A : i32
    %add3A = arith.addi %mul3A_0, %arg0 : i32
    %mul3A_1 = arith.constant 26 : i32
    %mul3A_2 = arith.muli %add3A, %mul3A_1 : i32
    %scan3A = arith.constant 0 : i32
    %scan3A_3 = arith.constant 26 : i32
    %scan3A_4 = arith.addi %scan3A, %scan3A_3 : i32
    %scan3A_5 = arith.constant 1 : i32
    scf.for %scan3A_36 = %scan3A to %scan3A_4 step %scan3A_5  : i32 {
      %mul3A_37 = arith.constant 1 : i32
      %mul3A_38 = arith.muli %scan3A_36, %mul3A_37 : i32
      %add3A_39 = arith.constant 0 : i32
      %add3A_40 = arith.addi %add3A_39, %mul3A_38 : i32
      %add3A_41 = arith.addi %mul3A_2, %add3A_40 : i32
      %shift_right_logical3A = arith.constant 5 : i32
      %shift_right_logical3A_42 = arith.shrui %add3A_41, %shift_right_logical3A : i32
      %and3A = arith.constant 31 : i32
      %and3A_43 = arith.andi %add3A_41, %and3A : i32
      %dma_start3A = arith.constant 0 : i32
      %dma_start3A_44 = tpu.memref_slice %arg2[%shift_right_logical3A_42, %and3A_43, %dma_start3A] : memref<26x32x100000xf32, #tpu.memory_space<hbm>> -> memref<1x1x100000xf32, #tpu.memory_space<hbm>>
      %dma_start3A_45 = tpu.memref_squeeze %dma_start3A_44 : memref<1x1x100000xf32, #tpu.memory_space<hbm>> -> memref<100000xf32, #tpu.memory_space<hbm>>
      %dma_start3A_46 = arith.constant 0 : i32
      %dma_start3A_47 = tpu.memref_slice %arg2[%shift_right_logical3A_42, %and3A_43, %dma_start3A_46] : memref<26x32x100000xf32, #tpu.memory_space<hbm>> -> memref<1x1x100000xf32, #tpu.memory_space<hbm>>
      %dma_start3A_48 = tpu.memref_squeeze %dma_start3A_47 : memref<1x1x100000xf32, #tpu.memory_space<hbm>> -> memref<100000xf32, #tpu.memory_space<hbm>>
      tpu.enqueue_dma source(%dma_start3A_48 : memref<100000xf32, #tpu.memory_space<hbm>>) target(%arg5 : memref<100000xf32, #tpu.memory_space<vmem>>) target_semaphore(%arg9 : memref<!tpu.dma_semaphore, #tpu.memory_space<semaphore_mem>>)
      %eq3A = arith.constant 0 : i32
      %eq3A_49 = arith.cmpi eq, %and3A_43, %eq3A : i32
      %eq3A_50 = arith.constant 0 : i32
      %eq3A_51 = arith.cmpi eq, %add3A_40, %eq3A_50 : i32
      %or3A = arith.ori %eq3A_49, %eq3A_51 : i1
      %convert_element_type3A = arith.extui %or3A : i1 to i32
      %cond3A = arith.constant 0 : i32
      %cond3A_52 = arith.cmpi ne, %convert_element_type3A, %cond3A : i32
      scf.if %cond3A_52 {
        "tpu.region"() ({
          %run_scoped3A = tpu.sem_alloc : memref<!tpu.dma_semaphore, #tpu.memory_space<semaphore_mem>>
          %dma_start3A_161 = arith.constant 0 : i32
          %dma_start3A_162 = tpu.memref_slice %arg3[%shift_right_logical3A_42, %dma_start3A_161] : memref<26x16384xi32, #tpu.memory_space<hbm>> -> memref<1x16384xi32, #tpu.memory_space<hbm>>
          %dma_start3A_163 = tpu.memref_squeeze %dma_start3A_162 : memref<1x16384xi32, #tpu.memory_space<hbm>> -> memref<16384xi32, #tpu.memory_space<hbm>>
          %dma_start3A_164 = arith.constant 0 : i32
          %dma_start3A_165 = tpu.memref_slice %arg3[%shift_right_logical3A_42, %dma_start3A_164] : memref<26x16384xi32, #tpu.memory_space<hbm>> -> memref<1x16384xi32, #tpu.memory_space<hbm>>
          %dma_start3A_166 = tpu.memref_squeeze %dma_start3A_165 : memref<1x16384xi32, #tpu.memory_space<hbm>> -> memref<16384xi32, #tpu.memory_space<hbm>>
          tpu.enqueue_dma source(%dma_start3A_166 : memref<16384xi32, #tpu.memory_space<hbm>>) target(%arg6 : memref<16384xi32, #tpu.memory_space<vmem>>) target_semaphore(%run_scoped3A : memref<!tpu.dma_semaphore, #tpu.memory_space<semaphore_mem>>)
          %dma_wait3A_167 = arith.constant 0 : i32
          %dma_wait3A_168 = tpu.memref_slice %arg3[%shift_right_logical3A_42, %dma_wait3A_167] : memref<26x16384xi32, #tpu.memory_space<hbm>> -> memref<1x16384xi32, #tpu.memory_space<hbm>>
          %dma_wait3A_169 = tpu.memref_squeeze %dma_wait3A_168 : memref<1x16384xi32, #tpu.memory_space<hbm>> -> memref<16384xi32, #tpu.memory_space<hbm>>
          %dma_wait3A_170 = arith.constant 0 : i32
          %dma_wait3A_171 = tpu.memref_slice %arg3[%shift_right_logical3A_42, %dma_wait3A_170] : memref<26x16384xi32, #tpu.memory_space<hbm>> -> memref<1x16384xi32, #tpu.memory_space<hbm>>
          %dma_wait3A_172 = tpu.memref_squeeze %dma_wait3A_171 : memref<1x16384xi32, #tpu.memory_space<hbm>> -> memref<16384xi32, #tpu.memory_space<hbm>>
          tpu.wait_dma2 semaphore(%run_scoped3A : memref<!tpu.dma_semaphore, #tpu.memory_space<semaphore_mem>>) src(%dma_wait3A_172 : memref<16384xi32, #tpu.memory_space<hbm>>) dst(%arg6 : memref<16384xi32, #tpu.memory_space<vmem>>)
          tpu.yield
        }) : () -> ()
      } else {
      }
      %gt3A = arith.constant 0 : i32
      %gt3A_53 = arith.cmpi sgt, %add3A_40, %gt3A : i32
      %convert_element_type3A_54 = arith.extui %gt3A_53 : i1 to i32
      %cond3A_55 = arith.constant 0 : i32
      %cond3A_56 = arith.cmpi ne, %convert_element_type3A_54, %cond3A_55 : i32
      scf.if %cond3A_56 {
        %dma_wait3A_161 = arith.constant 0 : i32
        %dma_wait3A_162 = arith.constant 0 : i32
        %dma_wait3A_163 = tpu.memref_slice %arg7[%dma_wait3A_161, %dma_wait3A_162] : memref<2x4096xf32, #tpu.memory_space<vmem>> -> memref<1x4096xf32, #tpu.memory_space<vmem>>
        %dma_wait3A_164 = tpu.memref_squeeze %dma_wait3A_163 : memref<1x4096xf32, #tpu.memory_space<vmem>> -> memref<4096xf32, #tpu.memory_space<vmem>>
        %dma_wait3A_165 = arith.constant 0 : i32
        %dma_wait3A_166 = tpu.memref_slice %arg2[%shift_right_logical3A_42, %and3A_43, %dma_wait3A_165] : memref<26x32x100000xf32, #tpu.memory_space<hbm>> -> memref<1x1x4096xf32, #tpu.memory_space<hbm>>
        %dma_wait3A_167 = tpu.memref_squeeze %dma_wait3A_166 : memref<1x1x4096xf32, #tpu.memory_space<hbm>> -> memref<4096xf32, #tpu.memory_space<hbm>>
        %dma_wait3A_168 = arith.constant 0 : i32
        %dma_wait3A_169 = tpu.memref_slice %arg7[%dma_wait3A_161, %dma_wait3A_168] : memref<2x4096xf32, #tpu.memory_space<vmem>> -> memref<1x4096xf32, #tpu.memory_space<vmem>>
        %dma_wait3A_170 = tpu.memref_squeeze %dma_wait3A_169 : memref<1x4096xf32, #tpu.memory_space<vmem>> -> memref<4096xf32, #tpu.memory_space<vmem>>
        %dma_wait3A_171 = arith.constant 0 : i32
        %dma_wait3A_172 = tpu.memref_slice %arg2[%shift_right_logical3A_42, %and3A_43, %dma_wait3A_171] : memref<26x32x100000xf32, #tpu.memory_space<hbm>> -> memref<1x1x4096xf32, #tpu.memory_space<hbm>>
        %dma_wait3A_173 = tpu.memref_squeeze %dma_wait3A_172 : memref<1x1x4096xf32, #tpu.memory_space<hbm>> -> memref<4096xf32, #tpu.memory_space<hbm>>
        tpu.wait_dma2 semaphore(%arg8 : memref<!tpu.dma_semaphore, #tpu.memory_space<semaphore_mem>>) src(%dma_wait3A_173 : memref<4096xf32, #tpu.memory_space<hbm>>) dst(%dma_wait3A_170 : memref<4096xf32, #tpu.memory_space<vmem>>)
        %dma_wait3A_174 = arith.constant 1 : i32
        %dma_wait3A_175 = arith.constant 0 : i32
        %dma_wait3A_176 = tpu.memref_slice %arg7[%dma_wait3A_174, %dma_wait3A_175] : memref<2x4096xf32, #tpu.memory_space<vmem>> -> memref<1x4096xf32, #tpu.memory_space<vmem>>
        %dma_wait3A_177 = tpu.memref_squeeze %dma_wait3A_176 : memref<1x4096xf32, #tpu.memory_space<vmem>> -> memref<4096xf32, #tpu.memory_space<vmem>>
        %dma_wait3A_178 = arith.constant 0 : i32
        %dma_wait3A_179 = tpu.memref_slice %arg2[%shift_right_logical3A_42, %and3A_43, %dma_wait3A_178] : memref<26x32x100000xf32, #tpu.memory_space<hbm>> -> memref<1x1x4096xf32, #tpu.memory_space<hbm>>
        %dma_wait3A_180 = tpu.memref_squeeze %dma_wait3A_179 : memref<1x1x4096xf32, #tpu.memory_space<hbm>> -> memref<4096xf32, #tpu.memory_space<hbm>>
        %dma_wait3A_181 = arith.constant 0 : i32
        %dma_wait3A_182 = tpu.memref_slice %arg7[%dma_wait3A_174, %dma_wait3A_181] : memref<2x4096xf32, #tpu.memory_space<vmem>> -> memref<1x4096xf32, #tpu.memory_space<vmem>>
        %dma_wait3A_183 = tpu.memref_squeeze %dma_wait3A_182 : memref<1x4096xf32, #tpu.memory_space<vmem>> -> memref<4096xf32, #tpu.memory_space<vmem>>
        %dma_wait3A_184 = arith.constant 0 : i32
        %dma_wait3A_185 = tpu.memref_slice %arg2[%shift_right_logical3A_42, %and3A_43, %dma_wait3A_184] : memref<26x32x100000xf32, #tpu.memory_space<hbm>> -> memref<1x1x4096xf32, #tpu.memory_space<hbm>>
        %dma_wait3A_186 = tpu.memref_squeeze %dma_wait3A_185 : memref<1x1x4096xf32, #tpu.memory_space<hbm>> -> memref<4096xf32, #tpu.memory_space<hbm>>
        tpu.wait_dma2 semaphore(%arg8 : memref<!tpu.dma_semaphore, #tpu.memory_space<semaphore_mem>>) src(%dma_wait3A_186 : memref<4096xf32, #tpu.memory_space<hbm>>) dst(%dma_wait3A_183 : memref<4096xf32, #tpu.memory_space<vmem>>)
      } else {
      }
      %dma_wait3A_57 = arith.constant 0 : i32
      %dma_wait3A_58 = tpu.memref_slice %arg2[%shift_right_logical3A_42, %and3A_43, %dma_wait3A_57] : memref<26x32x100000xf32, #tpu.memory_space<hbm>> -> memref<1x1x100000xf32, #tpu.memory_space<hbm>>
      %dma_wait3A_59 = tpu.memref_squeeze %dma_wait3A_58 : memref<1x1x100000xf32, #tpu.memory_space<hbm>> -> memref<100000xf32, #tpu.memory_space<hbm>>
      %dma_wait3A_60 = arith.constant 0 : i32
      %dma_wait3A_61 = tpu.memref_slice %arg2[%shift_right_logical3A_42, %and3A_43, %dma_wait3A_60] : memref<26x32x100000xf32, #tpu.memory_space<hbm>> -> memref<1x1x100000xf32, #tpu.memory_space<hbm>>
      %dma_wait3A_62 = tpu.memref_squeeze %dma_wait3A_61 : memref<1x1x100000xf32, #tpu.memory_space<hbm>> -> memref<100000xf32, #tpu.memory_space<hbm>>
      tpu.wait_dma2 semaphore(%arg9 : memref<!tpu.dma_semaphore, #tpu.memory_space<semaphore_mem>>) src(%dma_wait3A_62 : memref<100000xf32, #tpu.memory_space<hbm>>) dst(%arg5 : memref<100000xf32, #tpu.memory_space<vmem>>)
      %scan3A_63 = arith.constant 0 : i32
      %scan3A_64 = arith.constant 32 : i32
      %scan3A_65 = arith.addi %scan3A_63, %scan3A_64 : i32
      %scan3A_66 = arith.constant 1 : i32
      scf.for %scan3A_161 = %scan3A_63 to %scan3A_65 step %scan3A_66  : i32 {
        %mul3A_162 = arith.constant 8 : i32
        %mul3A_163 = arith.muli %scan3A_161, %mul3A_162 : i32
        %add3A_164 = arith.constant 0 : i32
        %add3A_165 = arith.addi %add3A_164, %mul3A_163 : i32
        %add3A_166 = arith.constant 0 : i32
        %add3A_167 = arith.addi %add3A_165, %add3A_166 : i32
        %mul3A_168 = arith.constant 16 : i32
        %mul3A_169 = arith.muli %add3A_167, %mul3A_168 : i32
        %add3A_170 = arith.constant 0 : i32
        %add3A_171 = arith.addi %add3A_170, %mul3A_169 : i32
        %get3A = arith.index_cast %add3A_171 : i32 to index
        %get3A_172 = tpu.vector_load %arg6[%get3A] {strides = array<i32>} : memref<16384xi32, #tpu.memory_space<vmem>>, vector<16xi32>,
        %add3A_173 = arith.constant 1 : i32
        %add3A_174 = arith.addi %add3A_165, %add3A_173 : i32
        %mul3A_175 = arith.constant 16 : i32
        %mul3A_176 = arith.muli %add3A_174, %mul3A_175 : i32
        %add3A_177 = arith.constant 0 : i32
        %add3A_178 = arith.addi %add3A_177, %mul3A_176 : i32
        %get3A_179 = arith.index_cast %add3A_178 : i32 to index
        %get3A_180 = tpu.vector_load %arg6[%get3A_179] {strides = array<i32>} : memref<16384xi32, #tpu.memory_space<vmem>>, vector<16xi32>,
        %add3A_181 = arith.constant 2 : i32
        %add3A_182 = arith.addi %add3A_165, %add3A_181 : i32
        %mul3A_183 = arith.constant 16 : i32
        %mul3A_184 = arith.muli %add3A_182, %mul3A_183 : i32
        %add3A_185 = arith.constant 0 : i32
        %add3A_186 = arith.addi %add3A_185, %mul3A_184 : i32
        %get3A_187 = arith.index_cast %add3A_186 : i32 to index
        %get3A_188 = tpu.vector_load %arg6[%get3A_187] {strides = array<i32>} : memref<16384xi32, #tpu.memory_space<vmem>>, vector<16xi32>,
        %add3A_189 = arith.constant 3 : i32
        %add3A_190 = arith.addi %add3A_165, %add3A_189 : i32
        %mul3A_191 = arith.constant 16 : i32
        %mul3A_192 = arith.muli %add3A_190, %mul3A_191 : i32
        %add3A_193 = arith.constant 0 : i32
        %add3A_194 = arith.addi %add3A_193, %mul3A_192 : i32
        %get3A_195 = arith.index_cast %add3A_194 : i32 to index
        %get3A_196 = tpu.vector_load %arg6[%get3A_195] {strides = array<i32>} : memref<16384xi32, #tpu.memory_space<vmem>>, vector<16xi32>,
        %add3A_197 = arith.constant 4 : i32
        %add3A_198 = arith.addi %add3A_165, %add3A_197 : i32
        %mul3A_199 = arith.constant 16 : i32
        %mul3A_200 = arith.muli %add3A_198, %mul3A_199 : i32
        %add3A_201 = arith.constant 0 : i32
        %add3A_202 = arith.addi %add3A_201, %mul3A_200 : i32
        %get3A_203 = arith.index_cast %add3A_202 : i32 to index
        %get3A_204 = tpu.vector_load %arg6[%get3A_203] {strides = array<i32>} : memref<16384xi32, #tpu.memory_space<vmem>>, vector<16xi32>,
        %add3A_205 = arith.constant 5 : i32
        %add3A_206 = arith.addi %add3A_165, %add3A_205 : i32
        %mul3A_207 = arith.constant 16 : i32
        %mul3A_208 = arith.muli %add3A_206, %mul3A_207 : i32
        %add3A_209 = arith.constant 0 : i32
        %add3A_210 = arith.addi %add3A_209, %mul3A_208 : i32
        %get3A_211 = arith.index_cast %add3A_210 : i32 to index
        %get3A_212 = tpu.vector_load %arg6[%get3A_211] {strides = array<i32>} : memref<16384xi32, #tpu.memory_space<vmem>>, vector<16xi32>,
        %add3A_213 = arith.constant 6 : i32
        %add3A_214 = arith.addi %add3A_165, %add3A_213 : i32
        %mul3A_215 = arith.constant 16 : i32
        %mul3A_216 = arith.muli %add3A_214, %mul3A_215 : i32
        %add3A_217 = arith.constant 0 : i32
        %add3A_218 = arith.addi %add3A_217, %mul3A_216 : i32
        %get3A_219 = arith.index_cast %add3A_218 : i32 to index
        %get3A_220 = tpu.vector_load %arg6[%get3A_219] {strides = array<i32>} : memref<16384xi32, #tpu.memory_space<vmem>>, vector<16xi32>,
        %add3A_221 = arith.constant 7 : i32
        %add3A_222 = arith.addi %add3A_165, %add3A_221 : i32
        %mul3A_223 = arith.constant 16 : i32
        %mul3A_224 = arith.muli %add3A_222, %mul3A_223 : i32
        %add3A_225 = arith.constant 0 : i32
        %add3A_226 = arith.addi %add3A_225, %mul3A_224 : i32
        %get3A_227 = arith.index_cast %add3A_226 : i32 to index
        %get3A_228 = tpu.vector_load %arg6[%get3A_227] {strides = array<i32>} : memref<16384xi32, #tpu.memory_space<vmem>>, vector<16xi32>,
        %gather3A = tpu.vector_load_idx %arg5[%get3A_172] : memref<100000xf32, #tpu.memory_space<vmem>>[vector<16xi32>], vector<16xf32>,
        %gather3A_229 = tpu.vector_load_idx %arg5[%get3A_180] : memref<100000xf32, #tpu.memory_space<vmem>>[vector<16xi32>], vector<16xf32>,
        %gather3A_230 = tpu.vector_load_idx %arg5[%get3A_188] : memref<100000xf32, #tpu.memory_space<vmem>>[vector<16xi32>], vector<16xf32>,
        %gather3A_231 = tpu.vector_load_idx %arg5[%get3A_196] : memref<100000xf32, #tpu.memory_space<vmem>>[vector<16xi32>], vector<16xf32>,
        %gather3A_232 = tpu.vector_load_idx %arg5[%get3A_204] : memref<100000xf32, #tpu.memory_space<vmem>>[vector<16xi32>], vector<16xf32>,
        %gather3A_233 = tpu.vector_load_idx %arg5[%get3A_212] : memref<100000xf32, #tpu.memory_space<vmem>>[vector<16xi32>], vector<16xf32>,
        %gather3A_234 = tpu.vector_load_idx %arg5[%get3A_220] : memref<100000xf32, #tpu.memory_space<vmem>>[vector<16xi32>], vector<16xf32>,
        %gather3A_235 = tpu.vector_load_idx %arg5[%get3A_228] : memref<100000xf32, #tpu.memory_space<vmem>>[vector<16xi32>], vector<16xf32>,
        %add3A_236 = arith.constant 0 : i32
        %add3A_237 = arith.addi %add3A_165, %add3A_236 : i32
        %mul3A_238 = arith.constant 16 : i32
        %mul3A_239 = arith.muli %add3A_237, %mul3A_238 : i32
        %swap3A = arith.constant 0 : i32
        %swap3A_240 = arith.index_cast %swap3A : i32 to index
        %swap3A_241 = arith.index_cast %mul3A_239 : i32 to index
        %swap3A_242 = tpu.vector_load %arg7[%swap3A_240, %swap3A_241] {strides = array<i32>} : memref<2x4096xf32, #tpu.memory_space<vmem>>, vector<16xf32>,
        tpu.vector_store %arg7[%swap3A_240, %swap3A_241], %gather3A {strides = array<i32>} : memref<2x4096xf32, #tpu.memory_space<vmem>>, vector<16xf32>,
        %add3A_243 = arith.constant 1 : i32
        %add3A_244 = arith.addi %add3A_165, %add3A_243 : i32
        %mul3A_245 = arith.constant 16 : i32
        %mul3A_246 = arith.muli %add3A_244, %mul3A_245 : i32
        %swap3A_247 = arith.constant 0 : i32
        %swap3A_248 = arith.index_cast %swap3A_247 : i32 to index
        %swap3A_249 = arith.index_cast %mul3A_246 : i32 to index
        %swap3A_250 = tpu.vector_load %arg7[%swap3A_248, %swap3A_249] {strides = array<i32>} : memref<2x4096xf32, #tpu.memory_space<vmem>>, vector<16xf32>,
        tpu.vector_store %arg7[%swap3A_248, %swap3A_249], %gather3A_229 {strides = array<i32>} : memref<2x4096xf32, #tpu.memory_space<vmem>>, vector<16xf32>,
        %add3A_251 = arith.constant 2 : i32
        %add3A_252 = arith.addi %add3A_165, %add3A_251 : i32
        %mul3A_253 = arith.constant 16 : i32
        %mul3A_254 = arith.muli %add3A_252, %mul3A_253 : i32
        %swap3A_255 = arith.constant 0 : i32
        %swap3A_256 = arith.index_cast %swap3A_255 : i32 to index
        %swap3A_257 = arith.index_cast %mul3A_254 : i32 to index
        %swap3A_258 = tpu.vector_load %arg7[%swap3A_256, %swap3A_257] {strides = array<i32>} : memref<2x4096xf32, #tpu.memory_space<vmem>>, vector<16xf32>,
        tpu.vector_store %arg7[%swap3A_256, %swap3A_257], %gather3A_230 {strides = array<i32>} : memref<2x4096xf32, #tpu.memory_space<vmem>>, vector<16xf32>,
        %add3A_259 = arith.constant 3 : i32
        %add3A_260 = arith.addi %add3A_165, %add3A_259 : i32
        %mul3A_261 = arith.constant 16 : i32
        %mul3A_262 = arith.muli %add3A_260, %mul3A_261 : i32
        %swap3A_263 = arith.constant 0 : i32
        %swap3A_264 = arith.index_cast %swap3A_263 : i32 to index
        %swap3A_265 = arith.index_cast %mul3A_262 : i32 to index
        %swap3A_266 = tpu.vector_load %arg7[%swap3A_264, %swap3A_265] {strides = array<i32>} : memref<2x4096xf32, #tpu.memory_space<vmem>>, vector<16xf32>,
        tpu.vector_store %arg7[%swap3A_264, %swap3A_265], %gather3A_231 {strides = array<i32>} : memref<2x4096xf32, #tpu.memory_space<vmem>>, vector<16xf32>,
        %add3A_267 = arith.constant 4 : i32
        %add3A_268 = arith.addi %add3A_165, %add3A_267 : i32
        %mul3A_269 = arith.constant 16 : i32
        %mul3A_270 = arith.muli %add3A_268, %mul3A_269 : i32
        %swap3A_271 = arith.constant 0 : i32
        %swap3A_272 = arith.index_cast %swap3A_271 : i32 to index
        %swap3A_273 = arith.index_cast %mul3A_270 : i32 to index
        %swap3A_274 = tpu.vector_load %arg7[%swap3A_272, %swap3A_273] {strides = array<i32>} : memref<2x4096xf32, #tpu.memory_space<vmem>>, vector<16xf32>,
        tpu.vector_store %arg7[%swap3A_272, %swap3A_273], %gather3A_232 {strides = array<i32>} : memref<2x4096xf32, #tpu.memory_space<vmem>>, vector<16xf32>,
        %add3A_275 = arith.constant 5 : i32
        %add3A_276 = arith.addi %add3A_165, %add3A_275 : i32
        %mul3A_277 = arith.constant 16 : i32
        %mul3A_278 = arith.muli %add3A_276, %mul3A_277 : i32
        %swap3A_279 = arith.constant 0 : i32
        %swap3A_280 = arith.index_cast %swap3A_279 : i32 to index
        %swap3A_281 = arith.index_cast %mul3A_278 : i32 to index
        %swap3A_282 = tpu.vector_load %arg7[%swap3A_280, %swap3A_281] {strides = array<i32>} : memref<2x4096xf32, #tpu.memory_space<vmem>>, vector<16xf32>,
        tpu.vector_store %arg7[%swap3A_280, %swap3A_281], %gather3A_233 {strides = array<i32>} : memref<2x4096xf32, #tpu.memory_space<vmem>>, vector<16xf32>,
        %add3A_283 = arith.constant 6 : i32
        %add3A_284 = arith.addi %add3A_165, %add3A_283 : i32
        %mul3A_285 = arith.constant 16 : i32
        %mul3A_286 = arith.muli %add3A_284, %mul3A_285 : i32
        %swap3A_287 = arith.constant 0 : i32
        %swap3A_288 = arith.index_cast %swap3A_287 : i32 to index
        %swap3A_289 = arith.index_cast %mul3A_286 : i32 to index
        %swap3A_290 = tpu.vector_load %arg7[%swap3A_288, %swap3A_289] {strides = array<i32>} : memref<2x4096xf32, #tpu.memory_space<vmem>>, vector<16xf32>,
        tpu.vector_store %arg7[%swap3A_288, %swap3A_289], %gather3A_234 {strides = array<i32>} : memref<2x4096xf32, #tpu.memory_space<vmem>>, vector<16xf32>,
        %add3A_291 = arith.constant 7 : i32
        %add3A_292 = arith.addi %add3A_165, %add3A_291 : i32
        %mul3A_293 = arith.constant 16 : i32
        %mul3A_294 = arith.muli %add3A_292, %mul3A_293 : i32
        %swap3A_295 = arith.constant 0 : i32
        %swap3A_296 = arith.index_cast %swap3A_295 : i32 to index
        %swap3A_297 = arith.index_cast %mul3A_294 : i32 to index
        %swap3A_298 = tpu.vector_load %arg7[%swap3A_296, %swap3A_297] {strides = array<i32>} : memref<2x4096xf32, #tpu.memory_space<vmem>>, vector<16xf32>,
        tpu.vector_store %arg7[%swap3A_296, %swap3A_297], %gather3A_235 {strides = array<i32>} : memref<2x4096xf32, #tpu.memory_space<vmem>>, vector<16xf32>,
      }
      %scan3A_67 = arith.constant 32 : i32
      %dma_start3A_68 = arith.constant 0 : i32
      %dma_start3A_69 = arith.constant 0 : i32
      %dma_start3A_70 = tpu.memref_slice %arg7[%dma_start3A_68, %dma_start3A_69] : memref<2x4096xf32, #tpu.memory_space<vmem>> -> memref<1x4096xf32, #tpu.memory_space<vmem>>
      %dma_start3A_71 = tpu.memref_squeeze %dma_start3A_70 : memref<1x4096xf32, #tpu.memory_space<vmem>> -> memref<4096xf32, #tpu.memory_space<vmem>>
      %dma_start3A_72 = arith.constant 0 : i32
      %dma_start3A_73 = tpu.memref_slice %arg4[%shift_right_logical3A_42, %and3A_43, %dma_start3A_72] : memref<26x32x16384xf32, #tpu.memory_space<hbm>> -> memref<1x1x4096xf32, #tpu.memory_space<hbm>>
      %dma_start3A_74 = tpu.memref_squeeze %dma_start3A_73 : memref<1x1x4096xf32, #tpu.memory_space<hbm>> -> memref<4096xf32, #tpu.memory_space<hbm>>
      %dma_start3A_75 = arith.constant 0 : i32
      %dma_start3A_76 = tpu.memref_slice %arg4[%shift_right_logical3A_42, %and3A_43, %dma_start3A_75] : memref<26x32x16384xf32, #tpu.memory_space<hbm>> -> memref<1x1x4096xf32, #tpu.memory_space<hbm>>
      %dma_start3A_77 = tpu.memref_squeeze %dma_start3A_76 : memref<1x1x4096xf32, #tpu.memory_space<hbm>> -> memref<4096xf32, #tpu.memory_space<hbm>>
      %dma_start3A_78 = arith.constant 0 : i32
      %dma_start3A_79 = tpu.memref_slice %arg7[%dma_start3A_68, %dma_start3A_78] : memref<2x4096xf32, #tpu.memory_space<vmem>> -> memref<1x4096xf32, #tpu.memory_space<vmem>>
      %dma_start3A_80 = tpu.memref_squeeze %dma_start3A_79 : memref<1x4096xf32, #tpu.memory_space<vmem>> -> memref<4096xf32, #tpu.memory_space<vmem>>
      tpu.enqueue_dma source(%dma_start3A_80 : memref<4096xf32, #tpu.memory_space<vmem>>) target(%dma_start3A_77 : memref<4096xf32, #tpu.memory_space<hbm>>) target_semaphore(%arg8 : memref<!tpu.dma_semaphore, #tpu.memory_space<semaphore_mem>>)
      %scan3A_81 = arith.constant 0 : i32
      %scan3A_82 = arith.constant 32 : i32
      %scan3A_83 = arith.addi %scan3A_81, %scan3A_82 : i32
      %scan3A_84 = arith.constant 1 : i32
      scf.for %scan3A_161 = %scan3A_81 to %scan3A_83 step %scan3A_84  : i32 {
        %mul3A_162 = arith.constant 8 : i32
        %mul3A_163 = arith.muli %scan3A_161, %mul3A_162 : i32
        %add3A_164 = arith.constant 0 : i32
        %add3A_165 = arith.addi %add3A_164, %mul3A_163 : i32
        %add3A_166 = arith.constant 0 : i32
        %add3A_167 = arith.addi %add3A_165, %add3A_166 : i32
        %mul3A_168 = arith.constant 16 : i32
        %mul3A_169 = arith.muli %add3A_167, %mul3A_168 : i32
        %add3A_170 = arith.constant 4096 : i32
        %add3A_171 = arith.addi %add3A_170, %mul3A_169 : i32
        %get3A = arith.index_cast %add3A_171 : i32 to index
        %get3A_172 = tpu.vector_load %arg6[%get3A] {strides = array<i32>} : memref<16384xi32, #tpu.memory_space<vmem>>, vector<16xi32>,
        %add3A_173 = arith.constant 1 : i32
        %add3A_174 = arith.addi %add3A_165, %add3A_173 : i32
        %mul3A_175 = arith.constant 16 : i32
        %mul3A_176 = arith.muli %add3A_174, %mul3A_175 : i32
        %add3A_177 = arith.constant 4096 : i32
        %add3A_178 = arith.addi %add3A_177, %mul3A_176 : i32
        %get3A_179 = arith.index_cast %add3A_178 : i32 to index
        %get3A_180 = tpu.vector_load %arg6[%get3A_179] {strides = array<i32>} : memref<16384xi32, #tpu.memory_space<vmem>>, vector<16xi32>,
        %add3A_181 = arith.constant 2 : i32
        %add3A_182 = arith.addi %add3A_165, %add3A_181 : i32
        %mul3A_183 = arith.constant 16 : i32
        %mul3A_184 = arith.muli %add3A_182, %mul3A_183 : i32
        %add3A_185 = arith.constant 4096 : i32
        %add3A_186 = arith.addi %add3A_185, %mul3A_184 : i32
        %get3A_187 = arith.index_cast %add3A_186 : i32 to index
        %get3A_188 = tpu.vector_load %arg6[%get3A_187] {strides = array<i32>} : memref<16384xi32, #tpu.memory_space<vmem>>, vector<16xi32>,
        %add3A_189 = arith.constant 3 : i32
        %add3A_190 = arith.addi %add3A_165, %add3A_189 : i32
        %mul3A_191 = arith.constant 16 : i32
        %mul3A_192 = arith.muli %add3A_190, %mul3A_191 : i32
        %add3A_193 = arith.constant 4096 : i32
        %add3A_194 = arith.addi %add3A_193, %mul3A_192 : i32
        %get3A_195 = arith.index_cast %add3A_194 : i32 to index
        %get3A_196 = tpu.vector_load %arg6[%get3A_195] {strides = array<i32>} : memref<16384xi32, #tpu.memory_space<vmem>>, vector<16xi32>,
        %add3A_197 = arith.constant 4 : i32
        %add3A_198 = arith.addi %add3A_165, %add3A_197 : i32
        %mul3A_199 = arith.constant 16 : i32
        %mul3A_200 = arith.muli %add3A_198, %mul3A_199 : i32
        %add3A_201 = arith.constant 4096 : i32
        %add3A_202 = arith.addi %add3A_201, %mul3A_200 : i32
        %get3A_203 = arith.index_cast %add3A_202 : i32 to index
        %get3A_204 = tpu.vector_load %arg6[%get3A_203] {strides = array<i32>} : memref<16384xi32, #tpu.memory_space<vmem>>, vector<16xi32>,
        %add3A_205 = arith.constant 5 : i32
        %add3A_206 = arith.addi %add3A_165, %add3A_205 : i32
        %mul3A_207 = arith.constant 16 : i32
        %mul3A_208 = arith.muli %add3A_206, %mul3A_207 : i32
        %add3A_209 = arith.constant 4096 : i32
        %add3A_210 = arith.addi %add3A_209, %mul3A_208 : i32
        %get3A_211 = arith.index_cast %add3A_210 : i32 to index
        %get3A_212 = tpu.vector_load %arg6[%get3A_211] {strides = array<i32>} : memref<16384xi32, #tpu.memory_space<vmem>>, vector<16xi32>,
        %add3A_213 = arith.constant 6 : i32
        %add3A_214 = arith.addi %add3A_165, %add3A_213 : i32
        %mul3A_215 = arith.constant 16 : i32
        %mul3A_216 = arith.muli %add3A_214, %mul3A_215 : i32
        %add3A_217 = arith.constant 4096 : i32
        %add3A_218 = arith.addi %add3A_217, %mul3A_216 : i32
        %get3A_219 = arith.index_cast %add3A_218 : i32 to index
        %get3A_220 = tpu.vector_load %arg6[%get3A_219] {strides = array<i32>} : memref<16384xi32, #tpu.memory_space<vmem>>, vector<16xi32>,
        %add3A_221 = arith.constant 7 : i32
        %add3A_222 = arith.addi %add3A_165, %add3A_221 : i32
        %mul3A_223 = arith.constant 16 : i32
        %mul3A_224 = arith.muli %add3A_222, %mul3A_223 : i32
        %add3A_225 = arith.constant 4096 : i32
        %add3A_226 = arith.addi %add3A_225, %mul3A_224 : i32
        %get3A_227 = arith.index_cast %add3A_226 : i32 to index
        %get3A_228 = tpu.vector_load %arg6[%get3A_227] {strides = array<i32>} : memref<16384xi32, #tpu.memory_space<vmem>>, vector<16xi32>,
        %gather3A = tpu.vector_load_idx %arg5[%get3A_172] : memref<100000xf32, #tpu.memory_space<vmem>>[vector<16xi32>], vector<16xf32>,
        %gather3A_229 = tpu.vector_load_idx %arg5[%get3A_180] : memref<100000xf32, #tpu.memory_space<vmem>>[vector<16xi32>], vector<16xf32>,
        %gather3A_230 = tpu.vector_load_idx %arg5[%get3A_188] : memref<100000xf32, #tpu.memory_space<vmem>>[vector<16xi32>], vector<16xf32>,
        %gather3A_231 = tpu.vector_load_idx %arg5[%get3A_196] : memref<100000xf32, #tpu.memory_space<vmem>>[vector<16xi32>], vector<16xf32>,
        %gather3A_232 = tpu.vector_load_idx %arg5[%get3A_204] : memref<100000xf32, #tpu.memory_space<vmem>>[vector<16xi32>], vector<16xf32>,
        %gather3A_233 = tpu.vector_load_idx %arg5[%get3A_212] : memref<100000xf32, #tpu.memory_space<vmem>>[vector<16xi32>], vector<16xf32>,
        %gather3A_234 = tpu.vector_load_idx %arg5[%get3A_220] : memref<100000xf32, #tpu.memory_space<vmem>>[vector<16xi32>], vector<16xf32>,
        %gather3A_235 = tpu.vector_load_idx %arg5[%get3A_228] : memref<100000xf32, #tpu.memory_space<vmem>>[vector<16xi32>], vector<16xf32>,
        %add3A_236 = arith.constant 0 : i32
        %add3A_237 = arith.addi %add3A_165, %add3A_236 : i32
        %mul3A_238 = arith.constant 16 : i32
        %mul3A_239 = arith.muli %add3A_237, %mul3A_238 : i32
        %swap3A = arith.constant 1 : i32
        %swap3A_240 = arith.index_cast %swap3A : i32 to index
        %swap3A_241 = arith.index_cast %mul3A_239 : i32 to index
        %swap3A_242 = tpu.vector_load %arg7[%swap3A_240, %swap3A_241] {strides = array<i32>} : memref<2x4096xf32, #tpu.memory_space<vmem>>, vector<16xf32>,
        tpu.vector_store %arg7[%swap3A_240, %swap3A_241], %gather3A {strides = array<i32>} : memref<2x4096xf32, #tpu.memory_space<vmem>>, vector<16xf32>,
        %add3A_243 = arith.constant 1 : i32
        %add3A_244 = arith.addi %add3A_165, %add3A_243 : i32
        %mul3A_245 = arith.constant 16 : i32
        %mul3A_246 = arith.muli %add3A_244, %mul3A_245 : i32
        %swap3A_247 = arith.constant 1 : i32
        %swap3A_248 = arith.index_cast %swap3A_247 : i32 to index
        %swap3A_249 = arith.index_cast %mul3A_246 : i32 to index
        %swap3A_250 = tpu.vector_load %arg7[%swap3A_248, %swap3A_249] {strides = array<i32>} : memref<2x4096xf32, #tpu.memory_space<vmem>>, vector<16xf32>,
        tpu.vector_store %arg7[%swap3A_248, %swap3A_249], %gather3A_229 {strides = array<i32>} : memref<2x4096xf32, #tpu.memory_space<vmem>>, vector<16xf32>,
        %add3A_251 = arith.constant 2 : i32
        %add3A_252 = arith.addi %add3A_165, %add3A_251 : i32
        %mul3A_253 = arith.constant 16 : i32
        %mul3A_254 = arith.muli %add3A_252, %mul3A_253 : i32
        %swap3A_255 = arith.constant 1 : i32
        %swap3A_256 = arith.index_cast %swap3A_255 : i32 to index
        %swap3A_257 = arith.index_cast %mul3A_254 : i32 to index
        %swap3A_258 = tpu.vector_load %arg7[%swap3A_256, %swap3A_257] {strides = array<i32>} : memref<2x4096xf32, #tpu.memory_space<vmem>>, vector<16xf32>,
        tpu.vector_store %arg7[%swap3A_256, %swap3A_257], %gather3A_230 {strides = array<i32>} : memref<2x4096xf32, #tpu.memory_space<vmem>>, vector<16xf32>,
        %add3A_259 = arith.constant 3 : i32
        %add3A_260 = arith.addi %add3A_165, %add3A_259 : i32
        %mul3A_261 = arith.constant 16 : i32
        %mul3A_262 = arith.muli %add3A_260, %mul3A_261 : i32
        %swap3A_263 = arith.constant 1 : i32
        %swap3A_264 = arith.index_cast %swap3A_263 : i32 to index
        %swap3A_265 = arith.index_cast %mul3A_262 : i32 to index
        %swap3A_266 = tpu.vector_load %arg7[%swap3A_264, %swap3A_265] {strides = array<i32>} : memref<2x4096xf32, #tpu.memory_space<vmem>>, vector<16xf32>,
        tpu.vector_store %arg7[%swap3A_264, %swap3A_265], %gather3A_231 {strides = array<i32>} : memref<2x4096xf32, #tpu.memory_space<vmem>>, vector<16xf32>,
        %add3A_267 = arith.constant 4 : i32
        %add3A_268 = arith.addi %add3A_165, %add3A_267 : i32
        %mul3A_269 = arith.constant 16 : i32
        %mul3A_270 = arith.muli %add3A_268, %mul3A_269 : i32
        %swap3A_271 = arith.constant 1 : i32
        %swap3A_272 = arith.index_cast %swap3A_271 : i32 to index
        %swap3A_273 = arith.index_cast %mul3A_270 : i32 to index
        %swap3A_274 = tpu.vector_load %arg7[%swap3A_272, %swap3A_273] {strides = array<i32>} : memref<2x4096xf32, #tpu.memory_space<vmem>>, vector<16xf32>,
        tpu.vector_store %arg7[%swap3A_272, %swap3A_273], %gather3A_232 {strides = array<i32>} : memref<2x4096xf32, #tpu.memory_space<vmem>>, vector<16xf32>,
        %add3A_275 = arith.constant 5 : i32
        %add3A_276 = arith.addi %add3A_165, %add3A_275 : i32
        %mul3A_277 = arith.constant 16 : i32
        %mul3A_278 = arith.muli %add3A_276, %mul3A_277 : i32
        %swap3A_279 = arith.constant 1 : i32
        %swap3A_280 = arith.index_cast %swap3A_279 : i32 to index
        %swap3A_281 = arith.index_cast %mul3A_278 : i32 to index
        %swap3A_282 = tpu.vector_load %arg7[%swap3A_280, %swap3A_281] {strides = array<i32>} : memref<2x4096xf32, #tpu.memory_space<vmem>>, vector<16xf32>,
        tpu.vector_store %arg7[%swap3A_280, %swap3A_281], %gather3A_233 {strides = array<i32>} : memref<2x4096xf32, #tpu.memory_space<vmem>>, vector<16xf32>,
        %add3A_283 = arith.constant 6 : i32
        %add3A_284 = arith.addi %add3A_165, %add3A_283 : i32
        %mul3A_285 = arith.constant 16 : i32
        %mul3A_286 = arith.muli %add3A_284, %mul3A_285 : i32
        %swap3A_287 = arith.constant 1 : i32
        %swap3A_288 = arith.index_cast %swap3A_287 : i32 to index
        %swap3A_289 = arith.index_cast %mul3A_286 : i32 to index
        %swap3A_290 = tpu.vector_load %arg7[%swap3A_288, %swap3A_289] {strides = array<i32>} : memref<2x4096xf32, #tpu.memory_space<vmem>>, vector<16xf32>,
        tpu.vector_store %arg7[%swap3A_288, %swap3A_289], %gather3A_234 {strides = array<i32>} : memref<2x4096xf32, #tpu.memory_space<vmem>>, vector<16xf32>,
        %add3A_291 = arith.constant 7 : i32
        %add3A_292 = arith.addi %add3A_165, %add3A_291 : i32
        %mul3A_293 = arith.constant 16 : i32
        %mul3A_294 = arith.muli %add3A_292, %mul3A_293 : i32
        %swap3A_295 = arith.constant 1 : i32
        %swap3A_296 = arith.index_cast %swap3A_295 : i32 to index
        %swap3A_297 = arith.index_cast %mul3A_294 : i32 to index
        %swap3A_298 = tpu.vector_load %arg7[%swap3A_296, %swap3A_297] {strides = array<i32>} : memref<2x4096xf32, #tpu.memory_space<vmem>>, vector<16xf32>,
        tpu.vector_store %arg7[%swap3A_296, %swap3A_297], %gather3A_235 {strides = array<i32>} : memref<2x4096xf32, #tpu.memory_space<vmem>>, vector<16xf32>,
      }
      %scan3A_85 = arith.constant 32 : i32
      %dma_start3A_86 = arith.constant 1 : i32
      %dma_start3A_87 = arith.constant 0 : i32
      %dma_start3A_88 = tpu.memref_slice %arg7[%dma_start3A_86, %dma_start3A_87] : memref<2x4096xf32, #tpu.memory_space<vmem>> -> memref<1x4096xf32, #tpu.memory_space<vmem>>
      %dma_start3A_89 = tpu.memref_squeeze %dma_start3A_88 : memref<1x4096xf32, #tpu.memory_space<vmem>> -> memref<4096xf32, #tpu.memory_space<vmem>>
      %dma_start3A_90 = arith.constant 4096 : i32
      %dma_start3A_91 = tpu.memref_slice %arg4[%shift_right_logical3A_42, %and3A_43, %dma_start3A_90] : memref<26x32x16384xf32, #tpu.memory_space<hbm>> -> memref<1x1x4096xf32, #tpu.memory_space<hbm>>
      %dma_start3A_92 = tpu.memref_squeeze %dma_start3A_91 : memref<1x1x4096xf32, #tpu.memory_space<hbm>> -> memref<4096xf32, #tpu.memory_space<hbm>>
      %dma_start3A_93 = arith.constant 4096 : i32
      %dma_start3A_94 = tpu.memref_slice %arg4[%shift_right_logical3A_42, %and3A_43, %dma_start3A_93] : memref<26x32x16384xf32, #tpu.memory_space<hbm>> -> memref<1x1x4096xf32, #tpu.memory_space<hbm>>
      %dma_start3A_95 = tpu.memref_squeeze %dma_start3A_94 : memref<1x1x4096xf32, #tpu.memory_space<hbm>> -> memref<4096xf32, #tpu.memory_space<hbm>>
      %dma_start3A_96 = arith.constant 0 : i32
      %dma_start3A_97 = tpu.memref_slice %arg7[%dma_start3A_86, %dma_start3A_96] : memref<2x4096xf32, #tpu.memory_space<vmem>> -> memref<1x4096xf32, #tpu.memory_space<vmem>>
      %dma_start3A_98 = tpu.memref_squeeze %dma_start3A_97 : memref<1x4096xf32, #tpu.memory_space<vmem>> -> memref<4096xf32, #tpu.memory_space<vmem>>
      tpu.enqueue_dma source(%dma_start3A_98 : memref<4096xf32, #tpu.memory_space<vmem>>) target(%dma_start3A_95 : memref<4096xf32, #tpu.memory_space<hbm>>) target_semaphore(%arg8 : memref<!tpu.dma_semaphore, #tpu.memory_space<semaphore_mem>>)
      %dma_wait3A_99 = arith.constant 0 : i32
      %dma_wait3A_100 = arith.constant 0 : i32
      %dma_wait3A_101 = tpu.memref_slice %arg7[%dma_wait3A_99, %dma_wait3A_100] : memref<2x4096xf32, #tpu.memory_space<vmem>> -> memref<1x4096xf32, #tpu.memory_space<vmem>>
      %dma_wait3A_102 = tpu.memref_squeeze %dma_wait3A_101 : memref<1x4096xf32, #tpu.memory_space<vmem>> -> memref<4096xf32, #tpu.memory_space<vmem>>
      %dma_wait3A_103 = arith.constant 0 : i32
      %dma_wait3A_104 = tpu.memref_slice %arg4[%shift_right_logical3A_42, %and3A_43, %dma_wait3A_103] : memref<26x32x16384xf32, #tpu.memory_space<hbm>> -> memref<1x1x4096xf32, #tpu.memory_space<hbm>>
      %dma_wait3A_105 = tpu.memref_squeeze %dma_wait3A_104 : memref<1x1x4096xf32, #tpu.memory_space<hbm>> -> memref<4096xf32, #tpu.memory_space<hbm>>
      %dma_wait3A_106 = arith.constant 0 : i32
      %dma_wait3A_107 = tpu.memref_slice %arg4[%shift_right_logical3A_42, %and3A_43, %dma_wait3A_106] : memref<26x32x16384xf32, #tpu.memory_space<hbm>> -> memref<1x1x4096xf32, #tpu.memory_space<hbm>>
      %dma_wait3A_108 = tpu.memref_squeeze %dma_wait3A_107 : memref<1x1x4096xf32, #tpu.memory_space<hbm>> -> memref<4096xf32, #tpu.memory_space<hbm>>
      %dma_wait3A_109 = arith.constant 0 : i32
      %dma_wait3A_110 = tpu.memref_slice %arg7[%dma_wait3A_99, %dma_wait3A_109] : memref<2x4096xf32, #tpu.memory_space<vmem>> -> memref<1x4096xf32, #tpu.memory_space<vmem>>
      %dma_wait3A_111 = tpu.memref_squeeze %dma_wait3A_110 : memref<1x4096xf32, #tpu.memory_space<vmem>> -> memref<4096xf32, #tpu.memory_space<vmem>>
      tpu.wait_dma2 semaphore(%arg8 : memref<!tpu.dma_semaphore, #tpu.memory_space<semaphore_mem>>) src(%dma_wait3A_111 : memref<4096xf32, #tpu.memory_space<vmem>>) dst(%dma_wait3A_108 : memref<4096xf32, #tpu.memory_space<hbm>>)
      %scan3A_112 = arith.constant 0 : i32
      %scan3A_113 = arith.constant 32 : i32
      %scan3A_114 = arith.addi %scan3A_112, %scan3A_113 : i32
      %scan3A_115 = arith.constant 1 : i32
      scf.for %scan3A_161 = %scan3A_112 to %scan3A_114 step %scan3A_115  : i32 {
        %mul3A_162 = arith.constant 8 : i32
        %mul3A_163 = arith.muli %scan3A_161, %mul3A_162 : i32
        %add3A_164 = arith.constant 0 : i32
        %add3A_165 = arith.addi %add3A_164, %mul3A_163 : i32
        %add3A_166 = arith.constant 0 : i32
        %add3A_167 = arith.addi %add3A_165, %add3A_166 : i32
        %mul3A_168 = arith.constant 16 : i32
        %mul3A_169 = arith.muli %add3A_167, %mul3A_168 : i32
        %add3A_170 = arith.constant 8192 : i32
        %add3A_171 = arith.addi %add3A_170, %mul3A_169 : i32
        %get3A = arith.index_cast %add3A_171 : i32 to index
        %get3A_172 = tpu.vector_load %arg6[%get3A] {strides = array<i32>} : memref<16384xi32, #tpu.memory_space<vmem>>, vector<16xi32>,
        %add3A_173 = arith.constant 1 : i32
        %add3A_174 = arith.addi %add3A_165, %add3A_173 : i32
        %mul3A_175 = arith.constant 16 : i32
        %mul3A_176 = arith.muli %add3A_174, %mul3A_175 : i32
        %add3A_177 = arith.constant 8192 : i32
        %add3A_178 = arith.addi %add3A_177, %mul3A_176 : i32
        %get3A_179 = arith.index_cast %add3A_178 : i32 to index
        %get3A_180 = tpu.vector_load %arg6[%get3A_179] {strides = array<i32>} : memref<16384xi32, #tpu.memory_space<vmem>>, vector<16xi32>,
        %add3A_181 = arith.constant 2 : i32
        %add3A_182 = arith.addi %add3A_165, %add3A_181 : i32
        %mul3A_183 = arith.constant 16 : i32
        %mul3A_184 = arith.muli %add3A_182, %mul3A_183 : i32
        %add3A_185 = arith.constant 8192 : i32
        %add3A_186 = arith.addi %add3A_185, %mul3A_184 : i32
        %get3A_187 = arith.index_cast %add3A_186 : i32 to index
        %get3A_188 = tpu.vector_load %arg6[%get3A_187] {strides = array<i32>} : memref<16384xi32, #tpu.memory_space<vmem>>, vector<16xi32>,
        %add3A_189 = arith.constant 3 : i32
        %add3A_190 = arith.addi %add3A_165, %add3A_189 : i32
        %mul3A_191 = arith.constant 16 : i32
        %mul3A_192 = arith.muli %add3A_190, %mul3A_191 : i32
        %add3A_193 = arith.constant 8192 : i32
        %add3A_194 = arith.addi %add3A_193, %mul3A_192 : i32
        %get3A_195 = arith.index_cast %add3A_194 : i32 to index
        %get3A_196 = tpu.vector_load %arg6[%get3A_195] {strides = array<i32>} : memref<16384xi32, #tpu.memory_space<vmem>>, vector<16xi32>,
        %add3A_197 = arith.constant 4 : i32
        %add3A_198 = arith.addi %add3A_165, %add3A_197 : i32
        %mul3A_199 = arith.constant 16 : i32
        %mul3A_200 = arith.muli %add3A_198, %mul3A_199 : i32
        %add3A_201 = arith.constant 8192 : i32
        %add3A_202 = arith.addi %add3A_201, %mul3A_200 : i32
        %get3A_203 = arith.index_cast %add3A_202 : i32 to index
        %get3A_204 = tpu.vector_load %arg6[%get3A_203] {strides = array<i32>} : memref<16384xi32, #tpu.memory_space<vmem>>, vector<16xi32>,
        %add3A_205 = arith.constant 5 : i32
        %add3A_206 = arith.addi %add3A_165, %add3A_205 : i32
        %mul3A_207 = arith.constant 16 : i32
        %mul3A_208 = arith.muli %add3A_206, %mul3A_207 : i32
        %add3A_209 = arith.constant 8192 : i32
        %add3A_210 = arith.addi %add3A_209, %mul3A_208 : i32
        %get3A_211 = arith.index_cast %add3A_210 : i32 to index
        %get3A_212 = tpu.vector_load %arg6[%get3A_211] {strides = array<i32>} : memref<16384xi32, #tpu.memory_space<vmem>>, vector<16xi32>,
        %add3A_213 = arith.constant 6 : i32
        %add3A_214 = arith.addi %add3A_165, %add3A_213 : i32
        %mul3A_215 = arith.constant 16 : i32
        %mul3A_216 = arith.muli %add3A_214, %mul3A_215 : i32
        %add3A_217 = arith.constant 8192 : i32
        %add3A_218 = arith.addi %add3A_217, %mul3A_216 : i32
        %get3A_219 = arith.index_cast %add3A_218 : i32 to index
        %get3A_220 = tpu.vector_load %arg6[%get3A_219] {strides = array<i32>} : memref<16384xi32, #tpu.memory_space<vmem>>, vector<16xi32>,
        %add3A_221 = arith.constant 7 : i32
        %add3A_222 = arith.addi %add3A_165, %add3A_221 : i32
        %mul3A_223 = arith.constant 16 : i32
        %mul3A_224 = arith.muli %add3A_222, %mul3A_223 : i32
        %add3A_225 = arith.constant 8192 : i32
        %add3A_226 = arith.addi %add3A_225, %mul3A_224 : i32
        %get3A_227 = arith.index_cast %add3A_226 : i32 to index
        %get3A_228 = tpu.vector_load %arg6[%get3A_227] {strides = array<i32>} : memref<16384xi32, #tpu.memory_space<vmem>>, vector<16xi32>,
        %gather3A = tpu.vector_load_idx %arg5[%get3A_172] : memref<100000xf32, #tpu.memory_space<vmem>>[vector<16xi32>], vector<16xf32>,
        %gather3A_229 = tpu.vector_load_idx %arg5[%get3A_180] : memref<100000xf32, #tpu.memory_space<vmem>>[vector<16xi32>], vector<16xf32>,
        %gather3A_230 = tpu.vector_load_idx %arg5[%get3A_188] : memref<100000xf32, #tpu.memory_space<vmem>>[vector<16xi32>], vector<16xf32>,
        %gather3A_231 = tpu.vector_load_idx %arg5[%get3A_196] : memref<100000xf32, #tpu.memory_space<vmem>>[vector<16xi32>], vector<16xf32>,
        %gather3A_232 = tpu.vector_load_idx %arg5[%get3A_204] : memref<100000xf32, #tpu.memory_space<vmem>>[vector<16xi32>], vector<16xf32>,
        %gather3A_233 = tpu.vector_load_idx %arg5[%get3A_212] : memref<100000xf32, #tpu.memory_space<vmem>>[vector<16xi32>], vector<16xf32>,
        %gather3A_234 = tpu.vector_load_idx %arg5[%get3A_220] : memref<100000xf32, #tpu.memory_space<vmem>>[vector<16xi32>], vector<16xf32>,
        %gather3A_235 = tpu.vector_load_idx %arg5[%get3A_228] : memref<100000xf32, #tpu.memory_space<vmem>>[vector<16xi32>], vector<16xf32>,
        %add3A_236 = arith.constant 0 : i32
        %add3A_237 = arith.addi %add3A_165, %add3A_236 : i32
        %mul3A_238 = arith.constant 16 : i32
        %mul3A_239 = arith.muli %add3A_237, %mul3A_238 : i32
        %swap3A = arith.constant 0 : i32
        %swap3A_240 = arith.index_cast %swap3A : i32 to index
        %swap3A_241 = arith.index_cast %mul3A_239 : i32 to index
        %swap3A_242 = tpu.vector_load %arg7[%swap3A_240, %swap3A_241] {strides = array<i32>} : memref<2x4096xf32, #tpu.memory_space<vmem>>, vector<16xf32>,
        tpu.vector_store %arg7[%swap3A_240, %swap3A_241], %gather3A {strides = array<i32>} : memref<2x4096xf32, #tpu.memory_space<vmem>>, vector<16xf32>,
        %add3A_243 = arith.constant 1 : i32
        %add3A_244 = arith.addi %add3A_165, %add3A_243 : i32
        %mul3A_245 = arith.constant 16 : i32
        %mul3A_246 = arith.muli %add3A_244, %mul3A_245 : i32
        %swap3A_247 = arith.constant 0 : i32
        %swap3A_248 = arith.index_cast %swap3A_247 : i32 to index
        %swap3A_249 = arith.index_cast %mul3A_246 : i32 to index
        %swap3A_250 = tpu.vector_load %arg7[%swap3A_248, %swap3A_249] {strides = array<i32>} : memref<2x4096xf32, #tpu.memory_space<vmem>>, vector<16xf32>,
        tpu.vector_store %arg7[%swap3A_248, %swap3A_249], %gather3A_229 {strides = array<i32>} : memref<2x4096xf32, #tpu.memory_space<vmem>>, vector<16xf32>,
        %add3A_251 = arith.constant 2 : i32
        %add3A_252 = arith.addi %add3A_165, %add3A_251 : i32
        %mul3A_253 = arith.constant 16 : i32
        %mul3A_254 = arith.muli %add3A_252, %mul3A_253 : i32
        %swap3A_255 = arith.constant 0 : i32
        %swap3A_256 = arith.index_cast %swap3A_255 : i32 to index
        %swap3A_257 = arith.index_cast %mul3A_254 : i32 to index
        %swap3A_258 = tpu.vector_load %arg7[%swap3A_256, %swap3A_257] {strides = array<i32>} : memref<2x4096xf32, #tpu.memory_space<vmem>>, vector<16xf32>,
        tpu.vector_store %arg7[%swap3A_256, %swap3A_257], %gather3A_230 {strides = array<i32>} : memref<2x4096xf32, #tpu.memory_space<vmem>>, vector<16xf32>,
        %add3A_259 = arith.constant 3 : i32
        %add3A_260 = arith.addi %add3A_165, %add3A_259 : i32
        %mul3A_261 = arith.constant 16 : i32
        %mul3A_262 = arith.muli %add3A_260, %mul3A_261 : i32
        %swap3A_263 = arith.constant 0 : i32
        %swap3A_264 = arith.index_cast %swap3A_263 : i32 to index
        %swap3A_265 = arith.index_cast %mul3A_262 : i32 to index
        %swap3A_266 = tpu.vector_load %arg7[%swap3A_264, %swap3A_265] {strides = array<i32>} : memref<2x4096xf32, #tpu.memory_space<vmem>>, vector<16xf32>,
        tpu.vector_store %arg7[%swap3A_264, %swap3A_265], %gather3A_231 {strides = array<i32>} : memref<2x4096xf32, #tpu.memory_space<vmem>>, vector<16xf32>,
        %add3A_267 = arith.constant 4 : i32
        %add3A_268 = arith.addi %add3A_165, %add3A_267 : i32
        %mul3A_269 = arith.constant 16 : i32
        %mul3A_270 = arith.muli %add3A_268, %mul3A_269 : i32
        %swap3A_271 = arith.constant 0 : i32
        %swap3A_272 = arith.index_cast %swap3A_271 : i32 to index
        %swap3A_273 = arith.index_cast %mul3A_270 : i32 to index
        %swap3A_274 = tpu.vector_load %arg7[%swap3A_272, %swap3A_273] {strides = array<i32>} : memref<2x4096xf32, #tpu.memory_space<vmem>>, vector<16xf32>,
        tpu.vector_store %arg7[%swap3A_272, %swap3A_273], %gather3A_232 {strides = array<i32>} : memref<2x4096xf32, #tpu.memory_space<vmem>>, vector<16xf32>,
        %add3A_275 = arith.constant 5 : i32
        %add3A_276 = arith.addi %add3A_165, %add3A_275 : i32
        %mul3A_277 = arith.constant 16 : i32
        %mul3A_278 = arith.muli %add3A_276, %mul3A_277 : i32
        %swap3A_279 = arith.constant 0 : i32
        %swap3A_280 = arith.index_cast %swap3A_279 : i32 to index
        %swap3A_281 = arith.index_cast %mul3A_278 : i32 to index
        %swap3A_282 = tpu.vector_load %arg7[%swap3A_280, %swap3A_281] {strides = array<i32>} : memref<2x4096xf32, #tpu.memory_space<vmem>>, vector<16xf32>,
        tpu.vector_store %arg7[%swap3A_280, %swap3A_281], %gather3A_233 {strides = array<i32>} : memref<2x4096xf32, #tpu.memory_space<vmem>>, vector<16xf32>,
        %add3A_283 = arith.constant 6 : i32
        %add3A_284 = arith.addi %add3A_165, %add3A_283 : i32
        %mul3A_285 = arith.constant 16 : i32
        %mul3A_286 = arith.muli %add3A_284, %mul3A_285 : i32
        %swap3A_287 = arith.constant 0 : i32
        %swap3A_288 = arith.index_cast %swap3A_287 : i32 to index
        %swap3A_289 = arith.index_cast %mul3A_286 : i32 to index
        %swap3A_290 = tpu.vector_load %arg7[%swap3A_288, %swap3A_289] {strides = array<i32>} : memref<2x4096xf32, #tpu.memory_space<vmem>>, vector<16xf32>,
        tpu.vector_store %arg7[%swap3A_288, %swap3A_289], %gather3A_234 {strides = array<i32>} : memref<2x4096xf32, #tpu.memory_space<vmem>>, vector<16xf32>,
        %add3A_291 = arith.constant 7 : i32
        %add3A_292 = arith.addi %add3A_165, %add3A_291 : i32
        %mul3A_293 = arith.constant 16 : i32
        %mul3A_294 = arith.muli %add3A_292, %mul3A_293 : i32
        %swap3A_295 = arith.constant 0 : i32
        %swap3A_296 = arith.index_cast %swap3A_295 : i32 to index
        %swap3A_297 = arith.index_cast %mul3A_294 : i32 to index
        %swap3A_298 = tpu.vector_load %arg7[%swap3A_296, %swap3A_297] {strides = array<i32>} : memref<2x4096xf32, #tpu.memory_space<vmem>>, vector<16xf32>,
        tpu.vector_store %arg7[%swap3A_296, %swap3A_297], %gather3A_235 {strides = array<i32>} : memref<2x4096xf32, #tpu.memory_space<vmem>>, vector<16xf32>,
      }
      %scan3A_116 = arith.constant 32 : i32
      %dma_start3A_117 = arith.constant 0 : i32
      %dma_start3A_118 = arith.constant 0 : i32
      %dma_start3A_119 = tpu.memref_slice %arg7[%dma_start3A_117, %dma_start3A_118] : memref<2x4096xf32, #tpu.memory_space<vmem>> -> memref<1x4096xf32, #tpu.memory_space<vmem>>
      %dma_start3A_120 = tpu.memref_squeeze %dma_start3A_119 : memref<1x4096xf32, #tpu.memory_space<vmem>> -> memref<4096xf32, #tpu.memory_space<vmem>>
      %dma_start3A_121 = arith.constant 8192 : i32
      %dma_start3A_122 = tpu.memref_slice %arg4[%shift_right_logical3A_42, %and3A_43, %dma_start3A_121] : memref<26x32x16384xf32, #tpu.memory_space<hbm>> -> memref<1x1x4096xf32, #tpu.memory_space<hbm>>
      %dma_start3A_123 = tpu.memref_squeeze %dma_start3A_122 : memref<1x1x4096xf32, #tpu.memory_space<hbm>> -> memref<4096xf32, #tpu.memory_space<hbm>>
      %dma_start3A_124 = arith.constant 8192 : i32
      %dma_start3A_125 = tpu.memref_slice %arg4[%shift_right_logical3A_42, %and3A_43, %dma_start3A_124] : memref<26x32x16384xf32, #tpu.memory_space<hbm>> -> memref<1x1x4096xf32, #tpu.memory_space<hbm>>
      %dma_start3A_126 = tpu.memref_squeeze %dma_start3A_125 : memref<1x1x4096xf32, #tpu.memory_space<hbm>> -> memref<4096xf32, #tpu.memory_space<hbm>>
      %dma_start3A_127 = arith.constant 0 : i32
      %dma_start3A_128 = tpu.memref_slice %arg7[%dma_start3A_117, %dma_start3A_127] : memref<2x4096xf32, #tpu.memory_space<vmem>> -> memref<1x4096xf32, #tpu.memory_space<vmem>>
      %dma_start3A_129 = tpu.memref_squeeze %dma_start3A_128 : memref<1x4096xf32, #tpu.memory_space<vmem>> -> memref<4096xf32, #tpu.memory_space<vmem>>
      tpu.enqueue_dma source(%dma_start3A_129 : memref<4096xf32, #tpu.memory_space<vmem>>) target(%dma_start3A_126 : memref<4096xf32, #tpu.memory_space<hbm>>) target_semaphore(%arg8 : memref<!tpu.dma_semaphore, #tpu.memory_space<semaphore_mem>>)
      %dma_wait3A_130 = arith.constant 1 : i32
      %dma_wait3A_131 = arith.constant 0 : i32
      %dma_wait3A_132 = tpu.memref_slice %arg7[%dma_wait3A_130, %dma_wait3A_131] : memref<2x4096xf32, #tpu.memory_space<vmem>> -> memref<1x4096xf32, #tpu.memory_space<vmem>>
      %dma_wait3A_133 = tpu.memref_squeeze %dma_wait3A_132 : memref<1x4096xf32, #tpu.memory_space<vmem>> -> memref<4096xf32, #tpu.memory_space<vmem>>
      %dma_wait3A_134 = arith.constant 4096 : i32
      %dma_wait3A_135 = tpu.memref_slice %arg4[%shift_right_logical3A_42, %and3A_43, %dma_wait3A_134] : memref<26x32x16384xf32, #tpu.memory_space<hbm>> -> memref<1x1x4096xf32, #tpu.memory_space<hbm>>
      %dma_wait3A_136 = tpu.memref_squeeze %dma_wait3A_135 : memref<1x1x4096xf32, #tpu.memory_space<hbm>> -> memref<4096xf32, #tpu.memory_space<hbm>>
      %dma_wait3A_137 = arith.constant 4096 : i32
      %dma_wait3A_138 = tpu.memref_slice %arg4[%shift_right_logical3A_42, %and3A_43, %dma_wait3A_137] : memref<26x32x16384xf32, #tpu.memory_space<hbm>> -> memref<1x1x4096xf32, #tpu.memory_space<hbm>>
      %dma_wait3A_139 = tpu.memref_squeeze %dma_wait3A_138 : memref<1x1x4096xf32, #tpu.memory_space<hbm>> -> memref<4096xf32, #tpu.memory_space<hbm>>
      %dma_wait3A_140 = arith.constant 0 : i32
      %dma_wait3A_141 = tpu.memref_slice %arg7[%dma_wait3A_130, %dma_wait3A_140] : memref<2x4096xf32, #tpu.memory_space<vmem>> -> memref<1x4096xf32, #tpu.memory_space<vmem>>
      %dma_wait3A_142 = tpu.memref_squeeze %dma_wait3A_141 : memref<1x4096xf32, #tpu.memory_space<vmem>> -> memref<4096xf32, #tpu.memory_space<vmem>>
      tpu.wait_dma2 semaphore(%arg8 : memref<!tpu.dma_semaphore, #tpu.memory_space<semaphore_mem>>) src(%dma_wait3A_142 : memref<4096xf32, #tpu.memory_space<vmem>>) dst(%dma_wait3A_139 : memref<4096xf32, #tpu.memory_space<hbm>>)
      %scan3A_143 = arith.constant 0 : i32
      %scan3A_144 = arith.constant 32 : i32
      %scan3A_145 = arith.addi %scan3A_143, %scan3A_144 : i32
      %scan3A_146 = arith.constant 1 : i32
      scf.for %scan3A_161 = %scan3A_143 to %scan3A_145 step %scan3A_146  : i32 {
        %mul3A_162 = arith.constant 8 : i32
        %mul3A_163 = arith.muli %scan3A_161, %mul3A_162 : i32
        %add3A_164 = arith.constant 0 : i32
        %add3A_165 = arith.addi %add3A_164, %mul3A_163 : i32
        %add3A_166 = arith.constant 0 : i32
        %add3A_167 = arith.addi %add3A_165, %add3A_166 : i32
        %mul3A_168 = arith.constant 16 : i32
        %mul3A_169 = arith.muli %add3A_167, %mul3A_168 : i32
        %add3A_170 = arith.constant 12288 : i32
        %add3A_171 = arith.addi %add3A_170, %mul3A_169 : i32
        %get3A = arith.index_cast %add3A_171 : i32 to index
        %get3A_172 = tpu.vector_load %arg6[%get3A] {strides = array<i32>} : memref<16384xi32, #tpu.memory_space<vmem>>, vector<16xi32>,
        %add3A_173 = arith.constant 1 : i32
        %add3A_174 = arith.addi %add3A_165, %add3A_173 : i32
        %mul3A_175 = arith.constant 16 : i32
        %mul3A_176 = arith.muli %add3A_174, %mul3A_175 : i32
        %add3A_177 = arith.constant 12288 : i32
        %add3A_178 = arith.addi %add3A_177, %mul3A_176 : i32
        %get3A_179 = arith.index_cast %add3A_178 : i32 to index
        %get3A_180 = tpu.vector_load %arg6[%get3A_179] {strides = array<i32>} : memref<16384xi32, #tpu.memory_space<vmem>>, vector<16xi32>,
        %add3A_181 = arith.constant 2 : i32
        %add3A_182 = arith.addi %add3A_165, %add3A_181 : i32
        %mul3A_183 = arith.constant 16 : i32
        %mul3A_184 = arith.muli %add3A_182, %mul3A_183 : i32
        %add3A_185 = arith.constant 12288 : i32
        %add3A_186 = arith.addi %add3A_185, %mul3A_184 : i32
        %get3A_187 = arith.index_cast %add3A_186 : i32 to index
        %get3A_188 = tpu.vector_load %arg6[%get3A_187] {strides = array<i32>} : memref<16384xi32, #tpu.memory_space<vmem>>, vector<16xi32>,
        %add3A_189 = arith.constant 3 : i32
        %add3A_190 = arith.addi %add3A_165, %add3A_189 : i32
        %mul3A_191 = arith.constant 16 : i32
        %mul3A_192 = arith.muli %add3A_190, %mul3A_191 : i32
        %add3A_193 = arith.constant 12288 : i32
        %add3A_194 = arith.addi %add3A_193, %mul3A_192 : i32
        %get3A_195 = arith.index_cast %add3A_194 : i32 to index
        %get3A_196 = tpu.vector_load %arg6[%get3A_195] {strides = array<i32>} : memref<16384xi32, #tpu.memory_space<vmem>>, vector<16xi32>,
        %add3A_197 = arith.constant 4 : i32
        %add3A_198 = arith.addi %add3A_165, %add3A_197 : i32
        %mul3A_199 = arith.constant 16 : i32
        %mul3A_200 = arith.muli %add3A_198, %mul3A_199 : i32
        %add3A_201 = arith.constant 12288 : i32
        %add3A_202 = arith.addi %add3A_201, %mul3A_200 : i32
        %get3A_203 = arith.index_cast %add3A_202 : i32 to index
        %get3A_204 = tpu.vector_load %arg6[%get3A_203] {strides = array<i32>} : memref<16384xi32, #tpu.memory_space<vmem>>, vector<16xi32>,
        %add3A_205 = arith.constant 5 : i32
        %add3A_206 = arith.addi %add3A_165, %add3A_205 : i32
        %mul3A_207 = arith.constant 16 : i32
        %mul3A_208 = arith.muli %add3A_206, %mul3A_207 : i32
        %add3A_209 = arith.constant 12288 : i32
        %add3A_210 = arith.addi %add3A_209, %mul3A_208 : i32
        %get3A_211 = arith.index_cast %add3A_210 : i32 to index
        %get3A_212 = tpu.vector_load %arg6[%get3A_211] {strides = array<i32>} : memref<16384xi32, #tpu.memory_space<vmem>>, vector<16xi32>,
        %add3A_213 = arith.constant 6 : i32
        %add3A_214 = arith.addi %add3A_165, %add3A_213 : i32
        %mul3A_215 = arith.constant 16 : i32
        %mul3A_216 = arith.muli %add3A_214, %mul3A_215 : i32
        %add3A_217 = arith.constant 12288 : i32
        %add3A_218 = arith.addi %add3A_217, %mul3A_216 : i32
        %get3A_219 = arith.index_cast %add3A_218 : i32 to index
        %get3A_220 = tpu.vector_load %arg6[%get3A_219] {strides = array<i32>} : memref<16384xi32, #tpu.memory_space<vmem>>, vector<16xi32>,
        %add3A_221 = arith.constant 7 : i32
        %add3A_222 = arith.addi %add3A_165, %add3A_221 : i32
        %mul3A_223 = arith.constant 16 : i32
        %mul3A_224 = arith.muli %add3A_222, %mul3A_223 : i32
        %add3A_225 = arith.constant 12288 : i32
        %add3A_226 = arith.addi %add3A_225, %mul3A_224 : i32
        %get3A_227 = arith.index_cast %add3A_226 : i32 to index
        %get3A_228 = tpu.vector_load %arg6[%get3A_227] {strides = array<i32>} : memref<16384xi32, #tpu.memory_space<vmem>>, vector<16xi32>,
        %gather3A = tpu.vector_load_idx %arg5[%get3A_172] : memref<100000xf32, #tpu.memory_space<vmem>>[vector<16xi32>], vector<16xf32>,
        %gather3A_229 = tpu.vector_load_idx %arg5[%get3A_180] : memref<100000xf32, #tpu.memory_space<vmem>>[vector<16xi32>], vector<16xf32>,
        %gather3A_230 = tpu.vector_load_idx %arg5[%get3A_188] : memref<100000xf32, #tpu.memory_space<vmem>>[vector<16xi32>], vector<16xf32>,
        %gather3A_231 = tpu.vector_load_idx %arg5[%get3A_196] : memref<100000xf32, #tpu.memory_space<vmem>>[vector<16xi32>], vector<16xf32>,
        %gather3A_232 = tpu.vector_load_idx %arg5[%get3A_204] : memref<100000xf32, #tpu.memory_space<vmem>>[vector<16xi32>], vector<16xf32>,
        %gather3A_233 = tpu.vector_load_idx %arg5[%get3A_212] : memref<100000xf32, #tpu.memory_space<vmem>>[vector<16xi32>], vector<16xf32>,
        %gather3A_234 = tpu.vector_load_idx %arg5[%get3A_220] : memref<100000xf32, #tpu.memory_space<vmem>>[vector<16xi32>], vector<16xf32>,
        %gather3A_235 = tpu.vector_load_idx %arg5[%get3A_228] : memref<100000xf32, #tpu.memory_space<vmem>>[vector<16xi32>], vector<16xf32>,
        %add3A_236 = arith.constant 0 : i32
        %add3A_237 = arith.addi %add3A_165, %add3A_236 : i32
        %mul3A_238 = arith.constant 16 : i32
        %mul3A_239 = arith.muli %add3A_237, %mul3A_238 : i32
        %swap3A = arith.constant 1 : i32
        %swap3A_240 = arith.index_cast %swap3A : i32 to index
        %swap3A_241 = arith.index_cast %mul3A_239 : i32 to index
        %swap3A_242 = tpu.vector_load %arg7[%swap3A_240, %swap3A_241] {strides = array<i32>} : memref<2x4096xf32, #tpu.memory_space<vmem>>, vector<16xf32>,
        tpu.vector_store %arg7[%swap3A_240, %swap3A_241], %gather3A {strides = array<i32>} : memref<2x4096xf32, #tpu.memory_space<vmem>>, vector<16xf32>,
        %add3A_243 = arith.constant 1 : i32
        %add3A_244 = arith.addi %add3A_165, %add3A_243 : i32
        %mul3A_245 = arith.constant 16 : i32
        %mul3A_246 = arith.muli %add3A_244, %mul3A_245 : i32
        %swap3A_247 = arith.constant 1 : i32
        %swap3A_248 = arith.index_cast %swap3A_247 : i32 to index
        %swap3A_249 = arith.index_cast %mul3A_246 : i32 to index
        %swap3A_250 = tpu.vector_load %arg7[%swap3A_248, %swap3A_249] {strides = array<i32>} : memref<2x4096xf32, #tpu.memory_space<vmem>>, vector<16xf32>,
        tpu.vector_store %arg7[%swap3A_248, %swap3A_249], %gather3A_229 {strides = array<i32>} : memref<2x4096xf32, #tpu.memory_space<vmem>>, vector<16xf32>,
        %add3A_251 = arith.constant 2 : i32
        %add3A_252 = arith.addi %add3A_165, %add3A_251 : i32
        %mul3A_253 = arith.constant 16 : i32
        %mul3A_254 = arith.muli %add3A_252, %mul3A_253 : i32
        %swap3A_255 = arith.constant 1 : i32
        %swap3A_256 = arith.index_cast %swap3A_255 : i32 to index
        %swap3A_257 = arith.index_cast %mul3A_254 : i32 to index
        %swap3A_258 = tpu.vector_load %arg7[%swap3A_256, %swap3A_257] {strides = array<i32>} : memref<2x4096xf32, #tpu.memory_space<vmem>>, vector<16xf32>,
        tpu.vector_store %arg7[%swap3A_256, %swap3A_257], %gather3A_230 {strides = array<i32>} : memref<2x4096xf32, #tpu.memory_space<vmem>>, vector<16xf32>,
        %add3A_259 = arith.constant 3 : i32
        %add3A_260 = arith.addi %add3A_165, %add3A_259 : i32
        %mul3A_261 = arith.constant 16 : i32
        %mul3A_262 = arith.muli %add3A_260, %mul3A_261 : i32
        %swap3A_263 = arith.constant 1 : i32
        %swap3A_264 = arith.index_cast %swap3A_263 : i32 to index
        %swap3A_265 = arith.index_cast %mul3A_262 : i32 to index
        %swap3A_266 = tpu.vector_load %arg7[%swap3A_264, %swap3A_265] {strides = array<i32>} : memref<2x4096xf32, #tpu.memory_space<vmem>>, vector<16xf32>,
        tpu.vector_store %arg7[%swap3A_264, %swap3A_265], %gather3A_231 {strides = array<i32>} : memref<2x4096xf32, #tpu.memory_space<vmem>>, vector<16xf32>,
        %add3A_267 = arith.constant 4 : i32
        %add3A_268 = arith.addi %add3A_165, %add3A_267 : i32
        %mul3A_269 = arith.constant 16 : i32
        %mul3A_270 = arith.muli %add3A_268, %mul3A_269 : i32
        %swap3A_271 = arith.constant 1 : i32
        %swap3A_272 = arith.index_cast %swap3A_271 : i32 to index
        %swap3A_273 = arith.index_cast %mul3A_270 : i32 to index
        %swap3A_274 = tpu.vector_load %arg7[%swap3A_272, %swap3A_273] {strides = array<i32>} : memref<2x4096xf32, #tpu.memory_space<vmem>>, vector<16xf32>,
        tpu.vector_store %arg7[%swap3A_272, %swap3A_273], %gather3A_232 {strides = array<i32>} : memref<2x4096xf32, #tpu.memory_space<vmem>>, vector<16xf32>,
        %add3A_275 = arith.constant 5 : i32
        %add3A_276 = arith.addi %add3A_165, %add3A_275 : i32
        %mul3A_277 = arith.constant 16 : i32
        %mul3A_278 = arith.muli %add3A_276, %mul3A_277 : i32
        %swap3A_279 = arith.constant 1 : i32
        %swap3A_280 = arith.index_cast %swap3A_279 : i32 to index
        %swap3A_281 = arith.index_cast %mul3A_278 : i32 to index
        %swap3A_282 = tpu.vector_load %arg7[%swap3A_280, %swap3A_281] {strides = array<i32>} : memref<2x4096xf32, #tpu.memory_space<vmem>>, vector<16xf32>,
        tpu.vector_store %arg7[%swap3A_280, %swap3A_281], %gather3A_233 {strides = array<i32>} : memref<2x4096xf32, #tpu.memory_space<vmem>>, vector<16xf32>,
        %add3A_283 = arith.constant 6 : i32
        %add3A_284 = arith.addi %add3A_165, %add3A_283 : i32
        %mul3A_285 = arith.constant 16 : i32
        %mul3A_286 = arith.muli %add3A_284, %mul3A_285 : i32
        %swap3A_287 = arith.constant 1 : i32
        %swap3A_288 = arith.index_cast %swap3A_287 : i32 to index
        %swap3A_289 = arith.index_cast %mul3A_286 : i32 to index
        %swap3A_290 = tpu.vector_load %arg7[%swap3A_288, %swap3A_289] {strides = array<i32>} : memref<2x4096xf32, #tpu.memory_space<vmem>>, vector<16xf32>,
        tpu.vector_store %arg7[%swap3A_288, %swap3A_289], %gather3A_234 {strides = array<i32>} : memref<2x4096xf32, #tpu.memory_space<vmem>>, vector<16xf32>,
        %add3A_291 = arith.constant 7 : i32
        %add3A_292 = arith.addi %add3A_165, %add3A_291 : i32
        %mul3A_293 = arith.constant 16 : i32
        %mul3A_294 = arith.muli %add3A_292, %mul3A_293 : i32
        %swap3A_295 = arith.constant 1 : i32
        %swap3A_296 = arith.index_cast %swap3A_295 : i32 to index
        %swap3A_297 = arith.index_cast %mul3A_294 : i32 to index
        %swap3A_298 = tpu.vector_load %arg7[%swap3A_296, %swap3A_297] {strides = array<i32>} : memref<2x4096xf32, #tpu.memory_space<vmem>>, vector<16xf32>,
        tpu.vector_store %arg7[%swap3A_296, %swap3A_297], %gather3A_235 {strides = array<i32>} : memref<2x4096xf32, #tpu.memory_space<vmem>>, vector<16xf32>,
      }
      %scan3A_147 = arith.constant 32 : i32
      %dma_start3A_148 = arith.constant 1 : i32
      %dma_start3A_149 = arith.constant 0 : i32
      %dma_start3A_150 = tpu.memref_slice %arg7[%dma_start3A_148, %dma_start3A_149] : memref<2x4096xf32, #tpu.memory_space<vmem>> -> memref<1x4096xf32, #tpu.memory_space<vmem>>
      %dma_start3A_151 = tpu.memref_squeeze %dma_start3A_150 : memref<1x4096xf32, #tpu.memory_space<vmem>> -> memref<4096xf32, #tpu.memory_space<vmem>>
      %dma_start3A_152 = arith.constant 12288 : i32
      %dma_start3A_153 = tpu.memref_slice %arg4[%shift_right_logical3A_42, %and3A_43, %dma_start3A_152] : memref<26x32x16384xf32, #tpu.memory_space<hbm>> -> memref<1x1x4096xf32, #tpu.memory_space<hbm>>
      %dma_start3A_154 = tpu.memref_squeeze %dma_start3A_153 : memref<1x1x4096xf32, #tpu.memory_space<hbm>> -> memref<4096xf32, #tpu.memory_space<hbm>>
      %dma_start3A_155 = arith.constant 12288 : i32
      %dma_start3A_156 = tpu.memref_slice %arg4[%shift_right_logical3A_42, %and3A_43, %dma_start3A_155] : memref<26x32x16384xf32, #tpu.memory_space<hbm>> -> memref<1x1x4096xf32, #tpu.memory_space<hbm>>
      %dma_start3A_157 = tpu.memref_squeeze %dma_start3A_156 : memref<1x1x4096xf32, #tpu.memory_space<hbm>> -> memref<4096xf32, #tpu.memory_space<hbm>>
      %dma_start3A_158 = arith.constant 0 : i32
      %dma_start3A_159 = tpu.memref_slice %arg7[%dma_start3A_148, %dma_start3A_158] : memref<2x4096xf32, #tpu.memory_space<vmem>> -> memref<1x4096xf32, #tpu.memory_space<vmem>>
      %dma_start3A_160 = tpu.memref_squeeze %dma_start3A_159 : memref<1x4096xf32, #tpu.memory_space<vmem>> -> memref<4096xf32, #tpu.memory_space<vmem>>
      tpu.enqueue_dma source(%dma_start3A_160 : memref<4096xf32, #tpu.memory_space<vmem>>) target(%dma_start3A_157 : memref<4096xf32, #tpu.memory_space<hbm>>) target_semaphore(%arg8 : memref<!tpu.dma_semaphore, #tpu.memory_space<semaphore_mem>>)
    }
    %scan3A_6 = arith.constant 26 : i32
    %dma_wait3A = arith.constant 0 : i32
    %dma_wait3A_7 = arith.constant 0 : i32
    %dma_wait3A_8 = arith.constant 0 : i32
    %dma_wait3A_9 = arith.constant 0 : i32
    %dma_wait3A_10 = tpu.memref_slice %arg7[%dma_wait3A_8, %dma_wait3A_9] : memref<2x4096xf32, #tpu.memory_space<vmem>> -> memref<1x4096xf32, #tpu.memory_space<vmem>>
    %dma_wait3A_11 = tpu.memref_squeeze %dma_wait3A_10 : memref<1x4096xf32, #tpu.memory_space<vmem>> -> memref<4096xf32, #tpu.memory_space<vmem>>
    %dma_wait3A_12 = arith.constant 0 : i32
    %dma_wait3A_13 = tpu.memref_slice %arg2[%dma_wait3A, %dma_wait3A_7, %dma_wait3A_12] : memref<26x32x100000xf32, #tpu.memory_space<hbm>> -> memref<1x1x4096xf32, #tpu.memory_space<hbm>>
    %dma_wait3A_14 = tpu.memref_squeeze %dma_wait3A_13 : memref<1x1x4096xf32, #tpu.memory_space<hbm>> -> memref<4096xf32, #tpu.memory_space<hbm>>
    %dma_wait3A_15 = arith.constant 0 : i32
    %dma_wait3A_16 = tpu.memref_slice %arg7[%dma_wait3A_8, %dma_wait3A_15] : memref<2x4096xf32, #tpu.memory_space<vmem>> -> memref<1x4096xf32, #tpu.memory_space<vmem>>
    %dma_wait3A_17 = tpu.memref_squeeze %dma_wait3A_16 : memref<1x4096xf32, #tpu.memory_space<vmem>> -> memref<4096xf32, #tpu.memory_space<vmem>>
    %dma_wait3A_18 = arith.constant 0 : i32
    %dma_wait3A_19 = tpu.memref_slice %arg2[%dma_wait3A, %dma_wait3A_7, %dma_wait3A_18] : memref<26x32x100000xf32, #tpu.memory_space<hbm>> -> memref<1x1x4096xf32, #tpu.memory_space<hbm>>
    %dma_wait3A_20 = tpu.memref_squeeze %dma_wait3A_19 : memref<1x1x4096xf32, #tpu.memory_space<hbm>> -> memref<4096xf32, #tpu.memory_space<hbm>>
    tpu.wait_dma2 semaphore(%arg8 : memref<!tpu.dma_semaphore, #tpu.memory_space<semaphore_mem>>) src(%dma_wait3A_20 : memref<4096xf32, #tpu.memory_space<hbm>>) dst(%dma_wait3A_17 : memref<4096xf32, #tpu.memory_space<vmem>>)
    %dma_wait3A_21 = arith.constant 0 : i32
    %dma_wait3A_22 = arith.constant 0 : i32
    %dma_wait3A_23 = arith.constant 1 : i32
    %dma_wait3A_24 = arith.constant 0 : i32
    %dma_wait3A_25 = tpu.memref_slice %arg7[%dma_wait3A_23, %dma_wait3A_24] : memref<2x4096xf32, #tpu.memory_space<vmem>> -> memref<1x4096xf32, #tpu.memory_space<vmem>>
    %dma_wait3A_26 = tpu.memref_squeeze %dma_wait3A_25 : memref<1x4096xf32, #tpu.memory_space<vmem>> -> memref<4096xf32, #tpu.memory_space<vmem>>
    %dma_wait3A_27 = arith.constant 0 : i32
    %dma_wait3A_28 = tpu.memref_slice %arg2[%dma_wait3A_21, %dma_wait3A_22, %dma_wait3A_27] : memref<26x32x100000xf32, #tpu.memory_space<hbm>> -> memref<1x1x4096xf32, #tpu.memory_space<hbm>>
    %dma_wait3A_29 = tpu.memref_squeeze %dma_wait3A_28 : memref<1x1x4096xf32, #tpu.memory_space<hbm>> -> memref<4096xf32, #tpu.memory_space<hbm>>
    %dma_wait3A_30 = arith.constant 0 : i32
    %dma_wait3A_31 = tpu.memref_slice %arg7[%dma_wait3A_23, %dma_wait3A_30] : memref<2x4096xf32, #tpu.memory_space<vmem>> -> memref<1x4096xf32, #tpu.memory_space<vmem>>
    %dma_wait3A_32 = tpu.memref_squeeze %dma_wait3A_31 : memref<1x4096xf32, #tpu.memory_space<vmem>> -> memref<4096xf32, #tpu.memory_space<vmem>>
    %dma_wait3A_33 = arith.constant 0 : i32
    %dma_wait3A_34 = tpu.memref_slice %arg2[%dma_wait3A_21, %dma_wait3A_22, %dma_wait3A_33] : memref<26x32x100000xf32, #tpu.memory_space<hbm>> -> memref<1x1x4096xf32, #tpu.memory_space<hbm>>
    %dma_wait3A_35 = tpu.memref_squeeze %dma_wait3A_34 : memref<1x1x4096xf32, #tpu.memory_space<hbm>> -> memref<4096xf32, #tpu.memory_space<hbm>>
    tpu.wait_dma2 semaphore(%arg8 : memref<!tpu.dma_semaphore, #tpu.memory_space<semaphore_mem>>) src(%dma_wait3A_35 : memref<4096xf32, #tpu.memory_space<hbm>>) dst(%dma_wait3A_32 : memref<4096xf32, #tpu.memory_space<vmem>>)
    return
  }
}

</mosaic_0001>

<sc_bundles>
// kernel: kernel.3.cloned.1.call-start
scs
__scs_entry_jumppad:
0x0: {  	(pc) =	sbr.rel $0x88, $3  }
0x1: {  	(tag) =	ssettag $0x0;
	lr =	simm.s32 $0x1  }
0x2: {  	[smem:$0x3F9F] =	sst lr;
	_ =	strace $0xD0000000  }
0x3: {  	_ = 	snop  }
0x4: {  	_ = 	snop  }
0x5: {  	_ = 	snop  }
0x6: {  	_ = 	snop  }
0x7: {  	_ = 	snop  }
__scs_overlays_trampoline_lowered:
0x8: {  	[smem:$0x3FAE] =	sst s0  }
0x9: {  	[smem:$0x3FAF] =	sst s1  }
0xa: {  	[smem:$0x3FB0] =	sst s2  }
0xb: {  	[smem:$0x3FB1] =	sst s3  }
0xc: {  	[smem:$0x3FB2] =	sst s4  }
0xd: {  	[smem:$0x3FB3] =	sst s5  }
0xe: {  	[smem:$0x3FB4] =	sst s6  }
0xf: {  	[smem:$0x3FB5] =	sst s7  }
0x10: {  	[smem:$0x3FB6] =	sst s8  }
0x11: {  	[smem:$0x3FB7] =	sst s9;
	s0 =	simm.s32 @!p0 $0x0  }
0x12: {  	s1 =	sld [smem:$0x3F9D];
	s0 =	simm.s32 @p0 $0x1  }
0x13: {  	[smem:$0x3FB8] =	sst s0;
	s0 =	simm.s32 @!p1 $0x0  }
0x14: {  	s2 =	sld [smem:$0x3F9C];
	s0 =	simm.s32 @p1 $0x1  }
0x15: {  	[smem:$0x3FB9] =	sst s0;
	s0 =	simm.s32 @!p2 $0x0  }
0x16: {  	s3 =	sld [smem:$0x3FDB];
	s0 =	simm.s32 @p2 $0x1  }
0x17: {  	s4 =	simm.s32 $0x1BF5;
	[smem:$0x3FBB] =	sst s0  }
0x18: {  	s0 =	sld [smem:$0x3F9E];
	_ =	swait.ge [sflag:s4], $0x0  }
0x19: {  	s7 =	sld [smem:$0x3F9F]  }
0x1a: {  	s8 =	sadd.s32 $0xFFFFE003, lr  }
0x1b: {  	s9 =	sadd.s32 $0xFFFFFEF7, lr;
	s5 =	simm.s32 $0xFFFFFFFF;
	p2 =	slt.u32 s8, $0xFFFFF086  }
0x1c: {  	p1 =	slt.u32 s9, $0xF7A;
	s5 =	simm.s32 @!p2 $0x0  }
0x1d: {  	s5 =	simm.s32 @p1 $0x1;
	p0 =	seq.s32 s7, s2  }
0x1e: {  	s7 =	smul.u32 @!p0 $0xF7A, s2;
	p2 =	seq.s32 @!p0 s5, $0x0  }
0x1f: {  	s9 =	smul.u32 $0xF7A, s1;
	s8 =	simm.s32 @!p0 $0x1BF5;
	p2 =	por !p2, p0  }
0x20: {  	[sflag:s8] =	ssyncset.s32 @!p0 $0xFFFFF086;
	s6 =	sadd.s32 @!p0 s3, s7;
	s7 =	simm.s32 @!p0 $0x108  }
0x21: {  	s3 =	sadd.s32 s3, s9;
	s6 =	sadd.s32 @!p0 $0x88, s6;
	s7 =	simm.s32 @p2 $0x1082  }
0x22: {  	[simem:s7], [sflag:s8] =	dma.local @!p0 [hbm:s6], $0xF7A  }
0x23: {  	s9 =	sor.u32 $0xD0000000, s2;
	s6 =	simm.s32 $0x108;
	_ =	swait.ge @!p0 [sflag:s8], $0x0  }
0x24: {  	s3 =	sadd.s32 $0x88, s3;
	s6 =	simm.s32 @!p1 $0x1082;
	[sflag:s4] =	ssyncset.s32 $0xFFFFF086  }
0x25: {  	[simem:s6], [sflag:s4] =	dma.local [hbm:s3], $0xF7A  }
0x26: {  	[smem:$0x3F9F] =	sst s1;
	(tag) =	ssettag s2;
	_ =	strace s9  }
0x27: {  	s1 =	sld [smem:$0x3FAF]  }
0x28: {  	s2 =	sld [smem:$0x3FB0]  }
0x29: {  	s4 =	sld [smem:$0x3FB2]  }
0x2a: {  	p0 =	seq.s32 s5, $0x0;
	s5 =	sld [smem:$0x3FB3]  }
0x2b: {  	s6 =	sld [smem:$0x3FB4]  }
0x2c: {  	s7 =	sld [smem:$0x3FB5]  }
0x2d: {  	s3 =	simm.s32 $0x108;
	s8 =	sld [smem:$0x3FB6]  }
0x2e: {  	s3 =	simm.s32 @!p0 $0x1082;
	s9 =	sld [smem:$0x3FB7]  }
0x2f: {  	lr =	sadd.s32 s0, s3;
	s0 =	sld [smem:$0x3FAE]  }
0x30: {  	s3 =	sld [smem:$0x3FB1]  }
0x31: {  	[smem:$0x3FBA] =	sst s10  }
0x32: {  	s10 =	sld [smem:$0x3FB8];
	_ =	sdelay $0x3  }
0x33: {  	p0 =	seq.s32 s10, $0x1;
	s10 =	sld [smem:$0x3FBA];
	_ =	sdelay $0x3  }
0x34: {  	[smem:$0x3FBA] =	sst s10  }
0x35: {  	s10 =	sld [smem:$0x3FB9];
	_ =	sdelay $0x3  }
0x36: {  	p1 =	seq.s32 s10, $0x1;
	s10 =	sld [smem:$0x3FBA];
	_ =	sdelay $0x3  }
0x37: {  	[smem:$0x3FBA] =	sst s10  }
0x38: {  	s10 =	sld [smem:$0x3FBB]  }
0x39: {  	_ = 	snop;
	(pc) =	sbr.ind lr, $3  }
0x3a: {  	_ = 	snop  }
0x3b: {  	_ = 	snop  }
0x3c: {  	p2 =	seq.s32 s10, $0x1;
	s10 =	sld [smem:$0x3FBA]  }
0x3d: {  	_ =	shalt  }
0x3e: {  	_ =	shalt  }
0x3f: {  	_ =	shalt  }
0x40: {  	_ =	shalt  }
0x41: {  	_ =	shalt  }
0x42: {  	_ =	shalt  }
0x43: {  	_ =	shalt  }
0x44: {  	_ =	shalt  }
0x45: {  	_ =	shalt  }
0x46: {  	_ =	shalt  }
0x47: {  	_ =	shalt  }
0x48: {  	_ =	shalt  }
0x49: {  	_ =	shalt  }
0x4a: {  	_ =	shalt  }
0x4b: {  	_ =	shalt  }
0x4c: {  	_ =	shalt  }
0x4d: {  	_ =	shalt  }
0x4e: {  	_ =	shalt  }
0x4f: {  	_ =	shalt  }
0x50: {  	_ =	shalt  }
0x51: {  	_ =	shalt  }
0x52: {  	_ =	shalt  }
0x53: {  	_ =	shalt  }
0x54: {  	_ =	shalt  }
0x55: {  	_ =	shalt  }
0x56: {  	_ =	shalt  }
0x57: {  	_ =	shalt  }
0x58: {  	_ =	shalt  }
0x59: {  	_ =	shalt  }
0x5a: {  	_ =	shalt  }
0x5b: {  	_ =	shalt  }
0x5c: {  	_ =	shalt  }
0x5d: {  	_ =	shalt  }
0x5e: {  	_ =	shalt  }
0x5f: {  	_ =	shalt  }
0x60: {  	_ =	shalt  }
0x61: {  	_ =	shalt  }
0x62: {  	_ =	shalt  }
0x63: {  	_ =	shalt  }
0x64: {  	_ =	shalt  }
0x65: {  	_ =	shalt  }
0x66: {  	_ =	shalt  }
0x67: {  	_ =	shalt  }
0x68: {  	_ =	shalt  }
0x69: {  	_ =	shalt  }
0x6a: {  	_ =	shalt  }
0x6b: {  	_ =	shalt  }
0x6c: {  	_ =	shalt  }
0x6d: {  	_ =	shalt  }
0x6e: {  	_ =	shalt  }
0x6f: {  	_ =	shalt  }
0x70: {  	_ =	shalt  }
0x71: {  	_ =	shalt  }
0x72: {  	_ =	shalt  }
0x73: {  	_ =	shalt  }
0x74: {  	_ =	shalt  }
0x75: {  	_ =	shalt  }
0x76: {  	_ =	shalt  }
0x77: {  	_ =	shalt  }
0x78: {  	_ =	shalt  }
0x79: {  	_ =	shalt  }
0x7a: {  	_ =	shalt  }
0x7b: {  	_ =	shalt  }
0x7c: {  	_ =	shalt  }
0x7d: {  	_ =	shalt  }
0x7e: {  	_ =	shalt  }
0x7f: {  	_ =	shalt  }
0x80: {  	_ =	shalt  }
0x81: {  	_ =	shalt  }
0x82: {  	_ =	shalt  }
0x83: {  	_ =	shalt  }
0x84: {  	_ =	shalt  }
0x85: {  	_ =	shalt  }
0x86: {  	_ =	shalt  }
0x87: {  	_ =	shalt  }
.Lfunc_end0:
.L_simem_size_0:
called_computation_lowered:
.L_overlay_start_0:
0x88: {  	s2 =	sld [smem:$0x3FD9]  }
0x89: {  	s3 =	sld [smem:$0x3FFE];
	_ =	sdelay $0x1  }
0x8a: {  	s1 =	srdreg.scid  }
0x8b: {  	s0 =	sand.u32 $0x1, s1  }
0x8c: {  	s18 =	sshll.u32 s0, $0xA;
	s2 =	sadd.s32 s3, s2  }
0x8d: {  	s2 =	sadd.s32 s2, s18  }
0x8e: {  	[smem:$0x3FC6] =	sst s2  }
0x8f: {  	_ = 	snop  }
0x90: {  	s2 =	sld [smem:$0x3FC9]  }
0x91: {  	s19 =	sld [smem:$0x3FC8]  }
0x92: {  	s4 =	sld [smem:$0x3FD0];
	(tm) =	ssettm $0x1  }
0x93: {  	s5 =	sld [smem:$0x3FFB];
	_ =	sdelay $0x3  }
0x94: {  	_ =	strace s5  }
0x95: {  	s5 =	sld [smem:$0x3FFC];
	_ =	sdelay $0x3  }
0x96: {  	_ =	strace s5  }
0x97: {  	s5 =	sld [smem:$0x3FFD];
	_ =	sdelay $0x3  }
0x98: {  	_ =	strace s5  }
0x99: {  	_ =	strace $0x8FFFFFFF  }
0x9a: {  	s20 =	sld [smem:$0x3FDB];
	_ =	sdelay $0x1  }
0x9b: {  	s6 =	simm.s32 $_scs_section_size  }
0x9c: {  	s7 =	simm.s32 $_size__tile_overlayer_lowered;
	s8 =	simm.s32 $_tile_overlayer_lowered  }
0x9d: {  	s23 =	simm.s32 $0x1BFF;
	s22 =	sshll.u32 s8, $0x1;
	s5 =	sadd.s32 s6, s20  }
0x9e: {  	s9 =	simm.s32 $0x0;
	s21 =	sshll.u32 s7, $0x1;
	s7 =	sadd.s32 s22, s5  }
0x9f: {  	[timem:s9], [sflag:s23] =	dma.local [hbm:s7], s21  }
0xa0: {  	_ =	swait.ge [sflag:s23], s21  }
0xa1: {  	s6 =	ssub.s32 $0x0, s21;
	[sflag:s23] =	ssyncset.done $0x0  }
0xa2: {  	[sflag:s23] =	ssyncadd.s32 s6;
	_ =	sdelay $0x1  }
0xa3: {  	s24 =	simm.s32 $0x1B8B  }
0xa4: {  	_ =	swait.ge [sflag:s24], $0x1  }
0xa5: {  	[sflag:s24] =	ssyncset.done $0x0  }
0xa6: {  	s25 =	simm.s32 $0x1B8E;
	[sflag:s24] =	ssyncadd.s32 $0xFFFFFFFF  }
0xa7: {  	s26 =	simm.s32 $execute0_lowered;
	[smem:$0x3FD2] =	sst s25  }
0xa8: {  	s6 =	sshll.u32 s26, $0x1;
	_ =	strace $0x80000046;
	[dreg:$0x1] =	wrdreg $0xFFFFFFFF  }
0xa9: {  	s28 =	simm.s32 $_size_execute0_lowered;
	s5 =	sadd.s32 s5, s6;
	[dreg:$0x0] =	wrdreg $0x0  }
0xaa: {  	s6 =	sshll.u32 s28, $0x1;
	[dreg:$0x2] =	wrdreg s5  }
0xab: {  	[dreg:$0x3] =	wrdreg s6  }
0xac: {  	[dreg:$0x4] =	wrdreg $0xC0  }
0xad: {  	_ =	task [dreg:s9], $0x5FFFF  }
0xae: {  	[dreg:$0x1] =	wrdreg $0xFFFFFFFF  }
0xaf: {  	[dreg:$0x0] =	wrdreg $0x60  }
0xb0: {  	[dreg:$0x2] =	wrdreg s19  }
0xb1: {  	[dreg:$0x3] =	wrdreg s2  }
0xb2: {  	[dreg:$0x4] =	wrdreg s4  }
0xb3: {  	[dreg:$0x5] =	wrdreg $0x9  }
0xb4: {  	_ =	task.clear_ibuf [dreg:s9], $0x6FFFF;
	_ =	strace $0x90000046  }
0xb5: {  	s29 =	simm.s32 $0x9;
	_ =	strace $0x80000048  }
0xb6: {  	_ =	swait.ge [sflag:s29], $0x1  }
0xb7: {  	[sflag:s29] =	ssyncadd.s32 $0xFFFFFFFF  }
0xb8: {  	_ =	strace $0x90000048  }
0xb9: {  	_ =	sfence  }
0xba: {  	s30 =	sld [smem:$0x0];
	_ =	sdelay $0x2  }
0xbb: {  	s31 =	sshll.u32 s1, $0xD;
	s1 =	sshrl.u32 s1, $0x2  }
0xbc: {  	s3 =	sand.u32 $0x4000, s31;
	s1 =	sadd.s32 s1, s30  }
0xbd: {  	s0 =	sor.u32 s3, s0;
	s1 =	sshll.u32 s1, $0x11  }
0xbe: {  	s0 =	sor.u32 s1, s0  }
0xbf: {  	s0 =	sadd.s32 $0x8F2B, s0  }
0xc0: {  	[sflag:s0] =	ssyncadd.remote.s32 $0x1  }
0xc1: {  	_ =	sfence.sel $0xFFFF  }
0xc2: {  	[dreg:$0x0] =	wrdreg $0xFFFFFFFF;
	(pc) =	sbr.abs _section_cstart, $3  }
0xc3: {  	[dreg:$0x1] =	wrdreg $0xFFFFFFFF  }
0xc4: {  	_ =	task.clear_ibuf [dreg:s9], $0x2FFFF;
	_ =	strace $0x9FFFFFFF  }
0xc5: {  	(tm) =	ssettm $0x7FFFFFFF  }
tec
execute0_lowered:
.L_overlay_start_1:
0x0: {  	(tag) =	ssettag $0x1  }
0x1: {  	s1 =	rddreg [dreg:$0x0]  }
0x2: {  	s3 =	rddreg [dreg:$0x1]  }
0x3: {  	s4 =	rddreg [dreg:$0x2];
	s5 =	srdreg.scid  }
0x4: {  	s0 =	rddreg [dreg:$0x3];
	s2 =	stileid.u32;
	s11 =	simm.s32 $0x80  }
0x5: {  	s12 =	simm.s32 $0x400;
	s13 =	simm.s32 $0x2;
	s14 =	simm.s32 $0x1  }
0x6: {  	s15 =	simm.s32 $0x0;
	s6 =	sand.u32 $0x1, s5;
	s5 =	simm.s32 $0x0  }
0x7: {  	s8 =	sshll.u32 s2, $0x1;
	s7 =	ssub.s32 $0x2, s6;
	[smem:$0x7FF] =	sst s5  }
0x8: {  	s6 =	sor.u32 s6, s8;
	s8 =	sadd.s32 $0x2000, s4;
	s9 =	sshrl.u32 s7, $0x1  }
0x9: {  	_ =	strace $0x80000047;
	s6 =	smul.u32 $0x1A, s6;
	s10 =	ssub.s32 s7, s9  }
0xa: {  	s7 =	sadd.s32 $0x1000, s4;
	s9 =	sadd.s32 $0x3000, s4;
	s10 =	smax.u32 s10, $0x1  }
.LBB2_1:
0xb: {  	s16 =	simm.s32 $0x0  }
.LBB2_2:
0xc: {  	s20 =	sadd.s32 s6, s16  }
0xd: {  	s17 =	sshrl.u32 s20, $0x5;
	s21 =	sand.u32 $0x1F, s20  }
0xe: {  	s18 =	sshrl.u32 s21, $0x3;
	s22 =	smul.u32 $0x30E000, s17  }
0xf: {  	p0 =	seq.s32 s16, $0x0;
	s23 =	smul.u32 $0xC3800, s18  }
0x10: {  	s19 =	sshll.u32 s20, $0x7;
	p1 =	sne.s32 @!p0 s21, $0x0  }
0x11: {  	s19 =	sand.u32 $0x380, s19;
	p0 =	por p0, !p1;
	s22 =	sadd.s32 s22, s23  }
0x12: {  	s20 =	sshll.u32 @p0 s20, $0x6;
	s21 =	sshll.u32 @p0 s17, $0x4;
	s22 =	sor.u32 s19, s22  }
0x13: {  	s20 =	sand.u32 @p0 $0xFFFC000, s20;
	s21 =	sand.u32 @p0 $0x70, s21;
	s22 =	sshrl.u32 s22, $0x3  }
0x14: {  	s23 =	simm.s32 @p0 $0x18700;
	s20 =	sadd.s32 @p0 s3, s20;
	s22 =	sadd.s32 s1, s22  }
0x15: {  	[tilespmem:s5], [sflag:$0x2] =	stream.strided.gather [hbm4b:s22+s11], $0x18700, s12, s11, $0x38;
	[tilespmem:$0x1E700] =	vst v63  }
0x16: {  	s20 =	sadd.s32 @p0 s21, s20;
	s21 =	simm.s32 @p0 $0x80;
	s22 =	simm.s32 @p0 $0x400  }
0x17: {  	[tilespmem:s23], [sflag:$0x3] =	stream.strided.gather @p0 [hbm4b:s20+s21], $0x4000, s22, s21, $0x38;
	[tilespmem:$0x1E700] =	vst v63  }
0x18: {  	s20 =	simm.s32 @p0 $0x3  }
0x19: {  	_ =	swait.ge @p0 [sflag:s20], $0x4000  }
0x1a: {  	p1 =	seq.s32 @p0 s16, $0x0;
	[sflag:s20] =	ssyncset.done @p0 $0x0  }
0x1b: {  	p1 =	por !p0, !p1;
	[sflag:s20] =	ssyncadd.s32 @p0 $0xFFFFC000  }
0x1c: {  	_ =	swait.ge @p1 [sflag:s14], $0x1000  }
0x1d: {  	[sflag:s14] =	ssyncset.done @p1 $0x0  }
0x1e: {  	[sflag:s14] =	ssyncadd.s32 @p1 $0xFFFFF000  }
0x1f: {  	_ =	swait.ge @p1 [sflag:s14], $0x1000  }
0x20: {  	[sflag:s14] =	ssyncset.done @p1 $0x0  }
0x21: {  	[sflag:s14] =	ssyncadd.s32 @p1 $0xFFFFF000  }
0x22: {  	_ =	swait.ge [sflag:s13], $0x18700  }
0x23: {  	[sflag:s13] =	ssyncset.done $0x0  }
0x24: {  	s21 =	simm.s32 $0x18740;
	[sflag:s13] =	ssyncadd.s32 $0xFFFE7900  }
0x25: {  	v0 =	vld [tilespmem:s21+$0xFFFFFFC0]  }
0x26: {  	s22 =	simm.s32 $0x400;
	s20 =	simm.s32 $0x0;
	v1 =	vld [tilespmem:s21+$0x30]  }
.LBB2_3:
0x27: {  	p0 =	sne.s32 s22, $0x7C00;
	v2 =	vld [tilespmem:s21+$0xFFFFFFD0]  }
0x28: {  	v3 =	vld [tilespmem:s21+$0xFFFFFFE0]  }
0x29: {  	v4 =	vld [tilespmem:s21+$0xFFFFFFF0]  }
0x2a: {  	v5 =	vld [tilespmem:s21+$0x0]  }
0x2b: {  	v6 =	vld [tilespmem:s21+$0x10]  }
0x2c: {  	v7 =	vld [tilespmem:s21+$0x20]  }
0x2d: {  	v0 =	vld.idx.msk [tilespmem:v0+s5+$0x0], $0xffff  }
0x2e: {  	v1 =	vld.idx.msk [tilespmem:v1+s5+$0x0], $0xffff  }
0x2f: {  	v2 =	vld.idx.msk [tilespmem:v2+s5+$0x0], $0xffff  }
0x30: {  	v3 =	vld.idx.msk [tilespmem:v3+s5+$0x0], $0xffff  }
0x31: {  	v4 =	vld.idx.msk [tilespmem:v4+s5+$0x0], $0xffff  }
0x32: {  	v5 =	vld.idx.msk [tilespmem:v5+s5+$0x0], $0xffff  }
0x33: {  	s23 =	sshra.s32 s20, $0x2;
	s20 =	smov.u32 s22;
	v6 =	vld.idx.msk [tilespmem:v6+s5+$0x0], $0xffff  }
0x34: {  	v7 =	vld.idx.msk [tilespmem:v7+s5+$0x0], $0xffff;
	[tilespmem:s23+$0x1C770] =	vst v1  }
0x35: {  	[tilespmem:s23+$0x1C700] =	vst v0  }
0x36: {  	[tilespmem:s23+$0x1C710] =	vst v2  }
0x37: {  	[tilespmem:s23+$0x1C720] =	vst v3  }
0x38: {  	[tilespmem:s23+$0x1C730] =	vst v4  }
.Ltmp0:
0x39: {  	[tilespmem:s23+$0x1C740] =	vst v5;
	(pc) =	sbr.rel @p0 .LBB2_3-.Ltmp0, $4  }
0x3a: {  	[tilespmem:s23+$0x1C750] =	vst v6  }
0x3b: {  	s21 =	sadd.s32 $0x80, s21;
	[tilespmem:s23+$0x1C760] =	vst v7  }
0x3c: {  	v0 =	vld [tilespmem:s21+$0xFFFFFFC0]  }
0x3d: {  	s22 =	sadd.s32 $0x400, s22;
	v1 =	vld [tilespmem:s21+$0x30]  }
0x3e: {  	_ = 	snop  }
0x3f: {  	v2 =	vld [tilespmem:s21+$0xFFFFFFD0]  }
0x40: {  	v3 =	vld [tilespmem:s21+$0xFFFFFFE0]  }
0x41: {  	v4 =	vld [tilespmem:s21+$0xFFFFFFF0]  }
0x42: {  	v5 =	vld [tilespmem:s21+$0x0]  }
0x43: {  	v6 =	vld [tilespmem:s21+$0x10]  }
0x44: {  	v7 =	vld [tilespmem:s21+$0x20]  }
0x45: {  	v0 =	vld.idx.msk [tilespmem:v0+s5+$0x0], $0xffff  }
0x46: {  	v1 =	vld.idx.msk [tilespmem:v1+s5+$0x0], $0xffff  }
0x47: {  	v2 =	vld.idx.msk [tilespmem:v2+s5+$0x0], $0xffff  }
0x48: {  	v3 =	vld.idx.msk [tilespmem:v3+s5+$0x0], $0xffff  }
0x49: {  	v4 =	vld.idx.msk [tilespmem:v4+s5+$0x0], $0xffff  }
0x4a: {  	v5 =	vld.idx.msk [tilespmem:v5+s5+$0x0], $0xffff  }
0x4b: {  	s20 =	sshra.s32 s20, $0x2;
	v6 =	vld.idx.msk [tilespmem:v6+s5+$0x0], $0xffff  }
0x4c: {  	v7 =	vld.idx.msk [tilespmem:v7+s5+$0x0], $0xffff;
	[tilespmem:s20+$0x1C700] =	vst v0  }
0x4d: {  	[tilespmem:s20+$0x1C770] =	vst v1  }
0x4e: {  	[tilespmem:s20+$0x1C710] =	vst v2  }
0x4f: {  	s17 =	sshll.u32 s17, $0x13;
	s18 =	sshll.u32 s18, $0x11;
	[tilespmem:s20+$0x1C720] =	vst v3  }
0x50: {  	s17 =	sor.u32 s17, s18;
	[tilespmem:s20+$0x1C730] =	vst v4  }
0x51: {  	s17 =	sor.u32 s19, s17;
	[tilespmem:s20+$0x1C740] =	vst v5  }
0x52: {  	s21 =	simm.s32 $0x0;
	s17 =	sshrl.u32 s17, $0x3;
	[tilespmem:s20+$0x1C750] =	vst v6  }
0x53: {  	s19 =	simm.s32 $0x0;
	s18 =	sadd.s32 s4, s17;
	[tilespmem:s20+$0x1C760] =	vst v7;
	s20 =	simm.s32 $0x1C700  }
.LBB2_5:
0x54: {  	p0 =	sne.s32 s21, $0xF80  }
.Ltmp1:
0x55: {  	_ = 	snop;
	(pc) =	sbr.rel @p0 .LBB2_5-.Ltmp1, $4  }
0x56: {  	_ = 	snop  }
0x57: {  	s22 =	sadd.s32 s21, s18  }
0x58: {  	[hbm4b:s22+s19] =	stream.linear.scatter [tilespmem:s20], [sflag:$0x1], $0x80, $0x38;
	[tilespmem:$0x1E700] =	vst v63  }
0x59: {  	s21 =	sadd.s32 $0x80, s21;
	s20 =	sadd.s32 $0x100, s20  }
0x5a: {  	s18 =	simm.s32 $0x0  }
0x5b: {  	v0 =	vld [tilespmem:s18+$0x19700]  }
0x5c: {  	v1 =	vld [tilespmem:s18+$0x19770]  }
0x5d: {  	v2 =	vld [tilespmem:s18+$0x19710]  }
0x5e: {  	v3 =	vld [tilespmem:s18+$0x19720]  }
0x5f: {  	v4 =	vld [tilespmem:s18+$0x19730]  }
0x60: {  	v5 =	vld [tilespmem:s18+$0x19740]  }
0x61: {  	v6 =	vld [tilespmem:s18+$0x19750]  }
0x62: {  	v7 =	vld [tilespmem:s18+$0x19760]  }
0x63: {  	v0 =	vld.idx.msk [tilespmem:v0+s5+$0x0], $0xffff  }
0x64: {  	v1 =	vld.idx.msk [tilespmem:v1+s5+$0x0], $0xffff  }
0x65: {  	v2 =	vld.idx.msk [tilespmem:v2+s5+$0x0], $0xffff  }
0x66: {  	v3 =	vld.idx.msk [tilespmem:v3+s5+$0x0], $0xffff  }
0x67: {  	v4 =	vld.idx.msk [tilespmem:v4+s5+$0x0], $0xffff  }
0x68: {  	v5 =	vld.idx.msk [tilespmem:v5+s5+$0x0], $0xffff  }
0x69: {  	s18 =	simm.s32 $0x1C7F0;
	v6 =	vld.idx.msk [tilespmem:v6+s5+$0x0], $0xffff  }
0x6a: {  	v7 =	vld.idx.msk [tilespmem:v7+s5+$0x0], $0xffff;
	[tilespmem:s18+$0x0] =	vst v1  }
0x6b: {  	[tilespmem:s18+$0xFFFFFF90] =	vst v0  }
0x6c: {  	[tilespmem:s18+$0xFFFFFFA0] =	vst v2  }
0x6d: {  	[tilespmem:s18+$0xFFFFFFB0] =	vst v3  }
0x6e: {  	[tilespmem:s18+$0xFFFFFFC0] =	vst v4  }
0x6f: {  	[tilespmem:s18+$0xFFFFFFD0] =	vst v5  }
0x70: {  	[tilespmem:s18+$0xFFFFFFE0] =	vst v6  }
0x71: {  	s20 =	simm.s32 $0x80;
	[tilespmem:s18+$0xFFFFFFF0] =	vst v7  }
0x72: {  	s19 =	simm.s32 $0x400;
	v0 =	vld [tilespmem:s20+$0x19700]  }
.LBB2_7:
0x73: {  	p0 =	sne.s32 s19, $0x3E00;
	v1 =	vld [tilespmem:s20+$0x19770]  }
0x74: {  	v2 =	vld [tilespmem:s20+$0x19710]  }
0x75: {  	v3 =	vld [tilespmem:s20+$0x19720]  }
0x76: {  	v4 =	vld [tilespmem:s20+$0x19730]  }
0x77: {  	v5 =	vld [tilespmem:s20+$0x19740]  }
0x78: {  	v6 =	vld [tilespmem:s20+$0x19750]  }
0x79: {  	v7 =	vld [tilespmem:s20+$0x19760]  }
0x7a: {  	v0 =	vld.idx.msk [tilespmem:v0+s5+$0x0], $0xffff  }
0x7b: {  	v1 =	vld.idx.msk [tilespmem:v1+s5+$0x0], $0xffff  }
0x7c: {  	v2 =	vld.idx.msk [tilespmem:v2+s5+$0x0], $0xffff  }
0x7d: {  	v3 =	vld.idx.msk [tilespmem:v3+s5+$0x0], $0xffff  }
0x7e: {  	v4 =	vld.idx.msk [tilespmem:v4+s5+$0x0], $0xffff  }
0x7f: {  	v5 =	vld.idx.msk [tilespmem:v5+s5+$0x0], $0xffff  }
0x80: {  	s18 =	sadd.s32 $0x100, s18;
	v6 =	vld.idx.msk [tilespmem:v6+s5+$0x0], $0xffff  }
0x81: {  	v7 =	vld.idx.msk [tilespmem:v7+s5+$0x0], $0xffff;
	[tilespmem:s18+$0x0] =	vst v1  }
0x82: {  	[tilespmem:s18+$0xFFFFFF90] =	vst v0  }
0x83: {  	[tilespmem:s18+$0xFFFFFFA0] =	vst v2  }
0x84: {  	[tilespmem:s18+$0xFFFFFFB0] =	vst v3  }
.Ltmp2:
0x85: {  	[tilespmem:s18+$0xFFFFFFC0] =	vst v4;
	(pc) =	sbr.rel @p0 .LBB2_7-.Ltmp2, $4  }
0x86: {  	[tilespmem:s18+$0xFFFFFFD0] =	vst v5  }
0x87: {  	[tilespmem:s18+$0xFFFFFFE0] =	vst v6  }
0x88: {  	s20 =	sshra.s32 s19, $0x2;
	[tilespmem:s18+$0xFFFFFFF0] =	vst v7  }
0x89: {  	s19 =	sadd.s32 $0x200, s19;
	v0 =	vld [tilespmem:s20+$0x19700]  }
0x8a: {  	_ = 	snop  }
0x8b: {  	v1 =	vld [tilespmem:s20+$0x19770]  }
0x8c: {  	v2 =	vld [tilespmem:s20+$0x19710]  }
0x8d: {  	v3 =	vld [tilespmem:s20+$0x19720]  }
0x8e: {  	v4 =	vld [tilespmem:s20+$0x19730]  }
0x8f: {  	v5 =	vld [tilespmem:s20+$0x19740]  }
0x90: {  	v6 =	vld [tilespmem:s20+$0x19750]  }
0x91: {  	v7 =	vld [tilespmem:s20+$0x19760]  }
0x92: {  	v0 =	vld.idx.msk [tilespmem:v0+s5+$0x0], $0xffff  }
0x93: {  	v1 =	vld.idx.msk [tilespmem:v1+s5+$0x0], $0xffff  }
0x94: {  	v2 =	vld.idx.msk [tilespmem:v2+s5+$0x0], $0xffff  }
0x95: {  	v3 =	vld.idx.msk [tilespmem:v3+s5+$0x0], $0xffff  }
0x96: {  	v4 =	vld.idx.msk [tilespmem:v4+s5+$0x0], $0xffff  }
0x97: {  	v5 =	vld.idx.msk [tilespmem:v5+s5+$0x0], $0xffff  }
0x98: {  	s31 =	sadd.s32 $0x100, s18;
	v6 =	vld.idx.msk [tilespmem:v6+s5+$0x0], $0xffff  }
0x99: {  	v7 =	vld.idx.msk [tilespmem:v7+s5+$0x0], $0xffff;
	[tilespmem:s31+$0xFFFFFF90] =	vst v0  }
0x9a: {  	[tilespmem:s31+$0x0] =	vst v1  }
0x9b: {  	[tilespmem:s31+$0xFFFFFFA0] =	vst v2  }
0x9c: {  	[tilespmem:s31+$0xFFFFFFB0] =	vst v3  }
0x9d: {  	[tilespmem:s31+$0xFFFFFFC0] =	vst v4  }
0x9e: {  	[tilespmem:s31+$0xFFFFFFD0] =	vst v5  }
0x9f: {  	s18 =	sadd.s32 s17, s7;
	s19 =	simm.s32 $0x1C780;
	[tilespmem:s31+$0xFFFFFFE0] =	vst v6  }
0xa0: {  	s20 =	simm.s32 $0x80;
	s21 =	simm.s32 $0x1C880;
	s22 =	sadd.s32 $0x0, s18;
	[tilespmem:s31+$0xFFFFFFF0] =	vst v7  }
.LBB2_9:
0xa1: {  	[hbm4b:s22+s5] =	stream.linear.scatter [tilespmem:s19], [sflag:$0x1], $0x80, $0x38;
	[tilespmem:$0x1E700] =	vst v63  }
0xa2: {  	s22 =	smov.u32 s20;
	s19 =	smov.u32 s21;
	p0 =	sne.s32 s20, $0xF80  }
.Ltmp3:
0xa3: {  	s20 =	sadd.s32 $0x80, s20;
	(pc) =	sbr.rel @p0 .LBB2_9-.Ltmp3, $2  }
0xa4: {  	_ =	sdelay $0x2  }
0xa5: {  	s21 =	sadd.s32 $0x100, s21;
	s22 =	sadd.s32 s22, s18  }
0xa6: {  	[hbm4b:s22+s5] =	stream.linear.scatter [tilespmem:s19], [sflag:$0x1], $0x80, $0x38;
	[tilespmem:$0x1E700] =	vst v63  }
0xa7: {  	_ =	swait.ge [sflag:s14], $0x1000  }
0xa8: {  	[sflag:s14] =	ssyncset.done $0x0  }
0xa9: {  	s18 =	simm.s32 $0x0;
	[sflag:s14] =	ssyncadd.s32 $0xFFFFF000  }
0xaa: {  	v0 =	vld [tilespmem:s18+$0x1A700]  }
0xab: {  	v1 =	vld [tilespmem:s18+$0x1A770]  }
0xac: {  	v2 =	vld [tilespmem:s18+$0x1A710]  }
0xad: {  	v3 =	vld [tilespmem:s18+$0x1A720]  }
0xae: {  	v4 =	vld [tilespmem:s18+$0x1A730]  }
0xaf: {  	v5 =	vld [tilespmem:s18+$0x1A740]  }
0xb0: {  	v6 =	vld [tilespmem:s18+$0x1A750]  }
0xb1: {  	v7 =	vld [tilespmem:s18+$0x1A760]  }
0xb2: {  	v0 =	vld.idx.msk [tilespmem:v0+s5+$0x0], $0xffff  }
0xb3: {  	v1 =	vld.idx.msk [tilespmem:v1+s5+$0x0], $0xffff  }
0xb4: {  	v2 =	vld.idx.msk [tilespmem:v2+s5+$0x0], $0xffff  }
0xb5: {  	v3 =	vld.idx.msk [tilespmem:v3+s5+$0x0], $0xffff  }
0xb6: {  	v4 =	vld.idx.msk [tilespmem:v4+s5+$0x0], $0xffff  }
0xb7: {  	v5 =	vld.idx.msk [tilespmem:v5+s5+$0x0], $0xffff  }
0xb8: {  	s18 =	simm.s32 $0x1C740;
	v6 =	vld.idx.msk [tilespmem:v6+s5+$0x0], $0xffff  }
0xb9: {  	v7 =	vld.idx.msk [tilespmem:v7+s5+$0x0], $0xffff;
	[tilespmem:s18+$0x30] =	vst v1  }
0xba: {  	[tilespmem:s18+$0xFFFFFFC0] =	vst v0  }
0xbb: {  	[tilespmem:s18+$0xFFFFFFD0] =	vst v2  }
0xbc: {  	[tilespmem:s18+$0xFFFFFFE0] =	vst v3  }
0xbd: {  	[tilespmem:s18+$0xFFFFFFF0] =	vst v4  }
0xbe: {  	[tilespmem:s18+$0x0] =	vst v5  }
0xbf: {  	[tilespmem:s18+$0x10] =	vst v6  }
0xc0: {  	s20 =	simm.s32 $0x80;
	[tilespmem:s18+$0x20] =	vst v7  }
0xc1: {  	s19 =	simm.s32 $0x400;
	v0 =	vld [tilespmem:s20+$0x1A700]  }
.LBB2_11:
0xc2: {  	p0 =	sne.s32 s19, $0x3E00;
	v1 =	vld [tilespmem:s20+$0x1A770]  }
0xc3: {  	v2 =	vld [tilespmem:s20+$0x1A710]  }
0xc4: {  	v3 =	vld [tilespmem:s20+$0x1A720]  }
0xc5: {  	v4 =	vld [tilespmem:s20+$0x1A730]  }
0xc6: {  	v5 =	vld [tilespmem:s20+$0x1A740]  }
0xc7: {  	v6 =	vld [tilespmem:s20+$0x1A750]  }
0xc8: {  	v7 =	vld [tilespmem:s20+$0x1A760]  }
0xc9: {  	v0 =	vld.idx.msk [tilespmem:v0+s5+$0x0], $0xffff  }
0xca: {  	v1 =	vld.idx.msk [tilespmem:v1+s5+$0x0], $0xffff  }
0xcb: {  	v2 =	vld.idx.msk [tilespmem:v2+s5+$0x0], $0xffff  }
0xcc: {  	v3 =	vld.idx.msk [tilespmem:v3+s5+$0x0], $0xffff  }
0xcd: {  	v4 =	vld.idx.msk [tilespmem:v4+s5+$0x0], $0xffff  }
0xce: {  	v5 =	vld.idx.msk [tilespmem:v5+s5+$0x0], $0xffff  }
0xcf: {  	s18 =	sadd.s32 $0x100, s18;
	v6 =	vld.idx.msk [tilespmem:v6+s5+$0x0], $0xffff  }
0xd0: {  	v7 =	vld.idx.msk [tilespmem:v7+s5+$0x0], $0xffff;
	[tilespmem:s18+$0x30] =	vst v1  }
0xd1: {  	[tilespmem:s18+$0xFFFFFFC0] =	vst v0  }
0xd2: {  	[tilespmem:s18+$0xFFFFFFD0] =	vst v2  }
0xd3: {  	[tilespmem:s18+$0xFFFFFFE0] =	vst v3  }
.Ltmp4:
0xd4: {  	[tilespmem:s18+$0xFFFFFFF0] =	vst v4;
	(pc) =	sbr.rel @p0 .LBB2_11-.Ltmp4, $4  }
0xd5: {  	[tilespmem:s18+$0x0] =	vst v5  }
0xd6: {  	[tilespmem:s18+$0x10] =	vst v6  }
0xd7: {  	s20 =	sshra.s32 s19, $0x2;
	[tilespmem:s18+$0x20] =	vst v7  }
0xd8: {  	s19 =	sadd.s32 $0x200, s19;
	v0 =	vld [tilespmem:s20+$0x1A700]  }
0xd9: {  	_ = 	snop  }
0xda: {  	v1 =	vld [tilespmem:s20+$0x1A770]  }
0xdb: {  	v2 =	vld [tilespmem:s20+$0x1A710]  }
0xdc: {  	v3 =	vld [tilespmem:s20+$0x1A720]  }
0xdd: {  	v4 =	vld [tilespmem:s20+$0x1A730]  }
0xde: {  	v5 =	vld [tilespmem:s20+$0x1A740]  }
0xdf: {  	v6 =	vld [tilespmem:s20+$0x1A750]  }
0xe0: {  	v7 =	vld [tilespmem:s20+$0x1A760]  }
0xe1: {  	v0 =	vld.idx.msk [tilespmem:v0+s5+$0x0], $0xffff  }
0xe2: {  	v1 =	vld.idx.msk [tilespmem:v1+s5+$0x0], $0xffff  }
0xe3: {  	v2 =	vld.idx.msk [tilespmem:v2+s5+$0x0], $0xffff  }
0xe4: {  	v3 =	vld.idx.msk [tilespmem:v3+s5+$0x0], $0xffff  }
0xe5: {  	v4 =	vld.idx.msk [tilespmem:v4+s5+$0x0], $0xffff  }
0xe6: {  	v5 =	vld.idx.msk [tilespmem:v5+s5+$0x0], $0xffff  }
0xe7: {  	s31 =	sadd.s32 $0x100, s18;
	v6 =	vld.idx.msk [tilespmem:v6+s5+$0x0], $0xffff  }
0xe8: {  	v7 =	vld.idx.msk [tilespmem:v7+s5+$0x0], $0xffff;
	[tilespmem:s31+$0xFFFFFFC0] =	vst v0  }
0xe9: {  	[tilespmem:s31+$0x30] =	vst v1  }
0xea: {  	[tilespmem:s31+$0xFFFFFFD0] =	vst v2  }
0xeb: {  	[tilespmem:s31+$0xFFFFFFE0] =	vst v3  }
0xec: {  	[tilespmem:s31+$0xFFFFFFF0] =	vst v4  }
0xed: {  	[tilespmem:s31+$0x0] =	vst v5  }
0xee: {  	s18 =	sadd.s32 s17, s8;
	s19 =	simm.s32 $0x1C700;
	[tilespmem:s31+$0x10] =	vst v6  }
0xef: {  	s20 =	simm.s32 $0x80;
	s21 =	simm.s32 $0x1C800;
	s22 =	sadd.s32 $0x0, s18;
	[tilespmem:s31+$0x20] =	vst v7  }
.LBB2_13:
0xf0: {  	[hbm4b:s22+s5] =	stream.linear.scatter [tilespmem:s19], [sflag:$0x1], $0x80, $0x38;
	[tilespmem:$0x1E700] =	vst v63  }
0xf1: {  	s22 =	smov.u32 s20;
	s19 =	smov.u32 s21;
	p0 =	sne.s32 s20, $0xF80  }
.Ltmp5:
0xf2: {  	s20 =	sadd.s32 $0x80, s20;
	(pc) =	sbr.rel @p0 .LBB2_13-.Ltmp5, $2  }
0xf3: {  	_ =	sdelay $0x2  }
0xf4: {  	s21 =	sadd.s32 $0x100, s21;
	s22 =	sadd.s32 s22, s18  }
0xf5: {  	[hbm4b:s22+s5] =	stream.linear.scatter [tilespmem:s19], [sflag:$0x1], $0x80, $0x38;
	[tilespmem:$0x1E700] =	vst v63  }
0xf6: {  	_ =	swait.ge [sflag:s14], $0x1000  }
0xf7: {  	[sflag:s14] =	ssyncset.done $0x0  }
0xf8: {  	s18 =	simm.s32 $0x0;
	[sflag:s14] =	ssyncadd.s32 $0xFFFFF000  }
0xf9: {  	v0 =	vld [tilespmem:s18+$0x1B700]  }
0xfa: {  	v1 =	vld [tilespmem:s18+$0x1B770]  }
0xfb: {  	v2 =	vld [tilespmem:s18+$0x1B710]  }
0xfc: {  	v3 =	vld [tilespmem:s18+$0x1B720]  }
0xfd: {  	v4 =	vld [tilespmem:s18+$0x1B730]  }
0xfe: {  	v5 =	vld [tilespmem:s18+$0x1B740]  }
0xff: {  	v6 =	vld [tilespmem:s18+$0x1B750]  }
0x100: {  	v7 =	vld [tilespmem:s18+$0x1B760]  }
0x101: {  	v0 =	vld.idx.msk [tilespmem:v0+s5+$0x0], $0xffff  }
0x102: {  	v1 =	vld.idx.msk [tilespmem:v1+s5+$0x0], $0xffff  }
0x103: {  	v2 =	vld.idx.msk [tilespmem:v2+s5+$0x0], $0xffff  }
0x104: {  	v3 =	vld.idx.msk [tilespmem:v3+s5+$0x0], $0xffff  }
0x105: {  	v4 =	vld.idx.msk [tilespmem:v4+s5+$0x0], $0xffff  }
0x106: {  	v5 =	vld.idx.msk [tilespmem:v5+s5+$0x0], $0xffff  }
0x107: {  	s18 =	simm.s32 $0x1C7F0;
	v6 =	vld.idx.msk [tilespmem:v6+s5+$0x0], $0xffff  }
0x108: {  	v7 =	vld.idx.msk [tilespmem:v7+s5+$0x0], $0xffff;
	[tilespmem:s18+$0x0] =	vst v1  }
0x109: {  	[tilespmem:s18+$0xFFFFFF90] =	vst v0  }
0x10a: {  	[tilespmem:s18+$0xFFFFFFA0] =	vst v2  }
0x10b: {  	[tilespmem:s18+$0xFFFFFFB0] =	vst v3  }
0x10c: {  	[tilespmem:s18+$0xFFFFFFC0] =	vst v4  }
0x10d: {  	[tilespmem:s18+$0xFFFFFFD0] =	vst v5  }
0x10e: {  	[tilespmem:s18+$0xFFFFFFE0] =	vst v6  }
0x10f: {  	s20 =	simm.s32 $0x80;
	[tilespmem:s18+$0xFFFFFFF0] =	vst v7  }
0x110: {  	s19 =	simm.s32 $0x400;
	v0 =	vld [tilespmem:s20+$0x1B700]  }
.LBB2_15:
0x111: {  	p0 =	sne.s32 s19, $0x3E00;
	v1 =	vld [tilespmem:s20+$0x1B770]  }
0x112: {  	v2 =	vld [tilespmem:s20+$0x1B710]  }
0x113: {  	v3 =	vld [tilespmem:s20+$0x1B720]  }
0x114: {  	v4 =	vld [tilespmem:s20+$0x1B730]  }
0x115: {  	v5 =	vld [tilespmem:s20+$0x1B740]  }
0x116: {  	v6 =	vld [tilespmem:s20+$0x1B750]  }
0x117: {  	v7 =	vld [tilespmem:s20+$0x1B760]  }
0x118: {  	v0 =	vld.idx.msk [tilespmem:v0+s5+$0x0], $0xffff  }
0x119: {  	v1 =	vld.idx.msk [tilespmem:v1+s5+$0x0], $0xffff  }
0x11a: {  	v2 =	vld.idx.msk [tilespmem:v2+s5+$0x0], $0xffff  }
0x11b: {  	v3 =	vld.idx.msk [tilespmem:v3+s5+$0x0], $0xffff  }
0x11c: {  	v4 =	vld.idx.msk [tilespmem:v4+s5+$0x0], $0xffff  }
0x11d: {  	v5 =	vld.idx.msk [tilespmem:v5+s5+$0x0], $0xffff  }
0x11e: {  	s18 =	sadd.s32 $0x100, s18;
	v6 =	vld.idx.msk [tilespmem:v6+s5+$0x0], $0xffff  }
0x11f: {  	v7 =	vld.idx.msk [tilespmem:v7+s5+$0x0], $0xffff;
	[tilespmem:s18+$0x0] =	vst v1  }
0x120: {  	[tilespmem:s18+$0xFFFFFF90] =	vst v0  }
0x121: {  	[tilespmem:s18+$0xFFFFFFA0] =	vst v2  }
0x122: {  	[tilespmem:s18+$0xFFFFFFB0] =	vst v3  }
.Ltmp6:
0x123: {  	[tilespmem:s18+$0xFFFFFFC0] =	vst v4;
	(pc) =	sbr.rel @p0 .LBB2_15-.Ltmp6, $4  }
0x124: {  	[tilespmem:s18+$0xFFFFFFD0] =	vst v5  }
0x125: {  	[tilespmem:s18+$0xFFFFFFE0] =	vst v6  }
0x126: {  	s20 =	sshra.s32 s19, $0x2;
	[tilespmem:s18+$0xFFFFFFF0] =	vst v7  }
0x127: {  	s19 =	sadd.s32 $0x200, s19;
	v0 =	vld [tilespmem:s20+$0x1B700]  }
0x128: {  	_ = 	snop  }
0x129: {  	v1 =	vld [tilespmem:s20+$0x1B770]  }
0x12a: {  	v2 =	vld [tilespmem:s20+$0x1B710]  }
0x12b: {  	v3 =	vld [tilespmem:s20+$0x1B720]  }
0x12c: {  	v4 =	vld [tilespmem:s20+$0x1B730]  }
0x12d: {  	v5 =	vld [tilespmem:s20+$0x1B740]  }
0x12e: {  	v6 =	vld [tilespmem:s20+$0x1B750]  }
0x12f: {  	v7 =	vld [tilespmem:s20+$0x1B760]  }
0x130: {  	v0 =	vld.idx.msk [tilespmem:v0+s5+$0x0], $0xffff  }
0x131: {  	v1 =	vld.idx.msk [tilespmem:v1+s5+$0x0], $0xffff  }
0x132: {  	v2 =	vld.idx.msk [tilespmem:v2+s5+$0x0], $0xffff  }
0x133: {  	v3 =	vld.idx.msk [tilespmem:v3+s5+$0x0], $0xffff  }
0x134: {  	v4 =	vld.idx.msk [tilespmem:v4+s5+$0x0], $0xffff  }
0x135: {  	v5 =	vld.idx.msk [tilespmem:v5+s5+$0x0], $0xffff  }
0x136: {  	s19 =	sadd.s32 $0x100, s18;
	v6 =	vld.idx.msk [tilespmem:v6+s5+$0x0], $0xffff  }
0x137: {  	v7 =	vld.idx.msk [tilespmem:v7+s5+$0x0], $0xffff;
	[tilespmem:s19+$0xFFFFFF90] =	vst v0  }
0x138: {  	[tilespmem:s19+$0x0] =	vst v1  }
0x139: {  	[tilespmem:s19+$0xFFFFFFA0] =	vst v2  }
0x13a: {  	[tilespmem:s19+$0xFFFFFFB0] =	vst v3  }
0x13b: {  	[tilespmem:s19+$0xFFFFFFC0] =	vst v4  }
0x13c: {  	[tilespmem:s19+$0xFFFFFFD0] =	vst v5  }
0x13d: {  	s17 =	sadd.s32 s17, s9;
	s18 =	simm.s32 $0x1C780;
	[tilespmem:s19+$0xFFFFFFE0] =	vst v6  }
0x13e: {  	s20 =	simm.s32 $0x1C880;
	s21 =	sadd.s32 $0x0, s17;
	[tilespmem:s19+$0xFFFFFFF0] =	vst v7;
	s19 =	simm.s32 $0x80  }
.LBB2_17:
0x13f: {  	[hbm4b:s21+s5] =	stream.linear.scatter [tilespmem:s18], [sflag:$0x1], $0x80, $0x38;
	[tilespmem:$0x1E700] =	vst v63  }
0x140: {  	s21 =	smov.u32 s19;
	s18 =	smov.u32 s20;
	p0 =	sne.s32 s19, $0xF80  }
.Ltmp7:
0x141: {  	s19 =	sadd.s32 $0x80, s19;
	(pc) =	sbr.rel @p0 .LBB2_17-.Ltmp7, $2  }
0x142: {  	_ =	sdelay $0x2  }
0x143: {  	s20 =	sadd.s32 $0x100, s20;
	s21 =	sadd.s32 s21, s17  }
0x144: {  	s16 =	sadd.s32 $0x1, s16  }
0x145: {  	p0 =	sne.s32 s16, $0x1A  }
.Ltmp8:
0x146: {  	_ = 	snop;
	(pc) =	sbr.rel @p0 .LBB2_2-.Ltmp8, $2  }
0x147: {  	_ =	sdelay $0x2  }
0x148: {  	[hbm4b:s21+s5] =	stream.linear.scatter [tilespmem:s18], [sflag:$0x1], $0x80, $0x38;
	[tilespmem:$0x1E700] =	vst v63  }
0x149: {  	s15 =	sadd.s32 $0x1, s15  }
0x14a: {  	_ =	swait.ge [sflag:s14], $0x1000;
	p0 =	sne.s32 s15, s10  }
.Ltmp9:
0x14b: {  	[sflag:s14] =	ssyncset.done $0x0;
	(pc) =	sbr.rel @p0 .LBB2_1-.Ltmp9, $4  }
0x14c: {  	[sflag:s14] =	ssyncadd.s32 $0xFFFFF000  }
0x14d: {  	_ =	swait.ge [sflag:s14], $0x1000  }
0x14e: {  	[sflag:s14] =	ssyncset.done $0x0  }
0x14f: {  	[sflag:s14] =	ssyncadd.s32 $0xFFFFF000  }
0x150: {  	_ =	sfence.sel $0x180000  }
0x151: {  	[bflag:$0x0] =	sbarrier.arrive $0xFFFF  }
0x152: {  	p0 =	sne.s32 s2, $0x0;
	_ =	strace $0x90000047  }
0x153: {  	s0 =	sadd.s32 @!p0 $0x100000, s0;
	[bflag:$0x2] =	sbarrier.arrive $0xFFFF  }
0x154: {  	[sflag:s0] =	ssyncadd.tile.s32 @!p0 $0x1;
	_ =	shalt  }
.Lfunc_end2:
_tile_overlayer_lowered:
.L_overlay_start_2:
0x155: {  	(tag) =	ssettag $0x2  }
0x156: {  	s0 =	rddreg [dreg:$0x0];
	s2 =	stileid.u32  }
0x157: {  	s1 =	rddreg [dreg:$0x1];
	p0 =	sne.s32 s2, $0x0  }
0x158: {  	s3 =	rddreg [dreg:$0x2];
	[bflag:$0x3] =	sbarrier.arrive $0xFFFF;
	s2 =	simm.s32 @!p0 $0x1C03  }
0x159: {  	[timem:s3], [sflag:s2] =	dma.local @!p0 [hbm:s0], s1  }
0x15a: {  	s0 =	simm.s32 @!p0 $0x3  }
0x15b: {  	_ =	swait.ge @!p0 [sflag:s0], s1  }
0x15c: {  	s1 =	ssub.s32 @!p0 $0x0, s1;
	[sflag:s0] =	ssyncset.done @!p0 $0x0  }
0x15d: {  	[sflag:s0] =	ssyncadd.s32 @!p0 s1  }
0x15e: {  	[bflag:$0x3] =	sbarrier.arrive $0xFFFF  }
0x15f: {  	_ =	shalt  }

</sc_bundles>
